<compile_context>
chip_gen: v7x
topology: tpu7x:2x2x1
jax: 0.10.2.dev20260603
libtpu: 0.0.44.dev20260713+nightly
codegen_flags: <defaults>
</compile_context>

<pallas_src>
import functools

import jax
import jax.numpy as jnp
from jax import lax
from jax.experimental import pallas as pl
from jax.experimental.pallas import tpu as pltpu
from jax.experimental.pallas import tpu_sc as plsc

D_MODEL = 32
LANES = 128
NW = 32
NSUB = 4
NBUF = 4
LOOKAHEAD = 2
KTILES = D_MODEL // 8


def _make_kernel(n_rows: int):
    rows_per_w = n_rows // NW
    n_chunks = rows_per_w // NSUB
    assert n_chunks % NBUF == 0 and n_chunks > NBUF
    mesh = plsc.VectorSubcoreMesh(core_axis_name="c", subcore_axis_name="s")

    @functools.partial(
        pl.kernel,
        out_type=jax.ShapeDtypeStruct((n_rows, LANES, D_MODEL), jnp.float32),
        mesh=mesh,
        scratch_types=(
            [pltpu.VMEM((NSUB, LANES), jnp.int32) for _ in range(NBUF)]
            + [pltpu.VMEM((NSUB, LANES, D_MODEL), jnp.float32) for _ in range(NBUF)]
            + [pltpu.SemaphoreType.DMA for _ in range(2 * NBUF)]
        ),
        compiler_params=pltpu.CompilerParams(use_tc_tiling_on_sc=False),
    )
    def gather_kernel(idx_hbm, tab_hbm, out_hbm, *scratch):
        idxs = scratch[:NBUF]
        rows = scratch[NBUF:2 * NBUF]
        gsems = scratch[2 * NBUF:3 * NBUF]
        osems = scratch[3 * NBUF:]

        wid = lax.axis_index("s") * 2 + lax.axis_index("c")
        row0 = wid * rows_per_w

        def fire(g, b):
            r0 = row0 + g * NSUB
            pltpu.sync_copy(idx_hbm.at[pl.ds(r0, NSUB)], idxs[b])
            for j in range(NSUB):
                pltpu.async_copy(tab_hbm.at[idxs[b].at[j]], rows[b].at[j], gsems[b])

        def wait_gathers(b):
            pltpu.make_async_copy(out_hbm.at[pl.ds(0, NSUB)], rows[b], gsems[b]).wait()

        def wait_writeout(b):
            pltpu.make_async_copy(out_hbm.at[pl.ds(0, NSUB)], rows[b], osems[b]).wait()

        for g in range(LOOKAHEAD):
            fire(g, g % NBUF)

        @pl.loop(0, n_chunks, step=NBUF)
        def body(t):
            for b in range(NBUF):
                g = t + b
                bn = (b + LOOKAHEAD) % NBUF
                nxt = g + LOOKAHEAD

                @pl.when(nxt < n_chunks)
                def _():
                    @pl.when(nxt >= NBUF)
                    def _():
                        wait_writeout(bn)
                    fire(nxt, bn)

                wait_gathers(b)
                pltpu.async_copy(
                    rows[b], out_hbm.at[pl.ds(row0 + g * NSUB, NSUB)], osems[b]
                )

        for b in range(NBUF):
            wait_writeout(b)

    return gather_kernel


def _make_tc_transpose(n_batch: int, n_seq: int):
    tcs = n_batch // LANES
    jk = n_seq * D_MODEL
    blk_rows = LANES * jk // LANES

    def tc_body(in_ref, out_ref):
        x = in_ref[...]
        out_ref[...] = (
            x.reshape(LANES, jk).swapaxes(0, 1)
            .reshape(n_seq, KTILES, 1, 8, LANES)
        )

    return pl.pallas_call(
        tc_body,
        out_shape=jax.ShapeDtypeStruct(
            (n_seq, KTILES, tcs, 8, LANES), jnp.float32
        ),
        grid=(tcs,),
        in_specs=[pl.BlockSpec((blk_rows, LANES), lambda t: (t, 0))],
        out_specs=pl.BlockSpec(
            (n_seq, KTILES, 1, 8, LANES), lambda t: (0, 0, t, 0, 0)
        ),
    )


@jax.jit
def kernel(stem_idx, embedding_weight):
    b, s = stem_idx.shape
    n = b * s
    idx2d = stem_idx.astype(jnp.int32).reshape(n // LANES, LANES)
    out = _make_kernel(n // LANES)(idx2d, embedding_weight)
    out5d = _make_tc_transpose(b, s)(out.reshape(n * D_MODEL // LANES, LANES))
    return out5d.transpose((2, 4, 0, 1, 3)).reshape(b, s, D_MODEL)

# --- scband reference (transcript-rebuilt; emitter-appended) ---
"""Pipeline reference for scband-stem-embedding-5506148074142 (READ-ONLY COPY).

The authoritative reference and input builder live on the scoring server;
editing this copy changes nothing except your own understanding.
"""

import jax, jax.numpy as jnp
import numpy as np

N_STEMS = 1000000
D_MODEL = 32

def setup_inputs(seed: int = 0) -> dict:
    key = jax.random.key(seed)
    k_idx, k_tab = jax.random.split(key)
    stem_idx = jax.random.randint(k_idx, (16384, 200), 0, N_STEMS, dtype=jnp.int64)
    embedding_weight = jax.random.normal(k_tab, (N_STEMS, D_MODEL), dtype=jnp.float32) * 0.02
    return {"stem_idx": stem_idx, "embedding_weight": embedding_weight}

def reference(stem_idx, embedding_weight):
    # nn.Embedding forward: gather rows of the table by index
    return jnp.take(embedding_weight, stem_idx, axis=0)

if __name__ == "__main__":
    import jax
    _d = setup_inputs()
    print(jax.jit(kernel)(*tuple(_d.values())))

</pallas_src>

<mosaic_0001>
#map = affine_map<(d0, d1) -> (0, 0)>
#map1 = affine_map<(d0, d1) -> (0, 0, 0)>
module attributes {stable_mosaic.version = 14 : i64} {
  func.func @gather_kernel(%arg0: i32, %arg1: i32, %arg2: memref<25600x128xi32, #tpu.memory_space<hbm>>, %arg3: memref<1000000x32xf32, #tpu.memory_space<hbm>>, %arg4: memref<25600x128x32xf32, #tpu.memory_space<hbm>>, %arg5: memref<4x128xi32, #tpu.memory_space<vmem>>, %arg6: memref<4x128xi32, #tpu.memory_space<vmem>>, %arg7: memref<4x128xi32, #tpu.memory_space<vmem>>, %arg8: memref<4x128xi32, #tpu.memory_space<vmem>>, %arg9: memref<4x128x32xf32, #tpu.memory_space<vmem>>, %arg10: memref<4x128x32xf32, #tpu.memory_space<vmem>>, %arg11: memref<4x128x32xf32, #tpu.memory_space<vmem>>, %arg12: memref<4x128x32xf32, #tpu.memory_space<vmem>>, %arg13: memref<!tpu.dma_semaphore, #tpu.memory_space<semaphore_mem>>, %arg14: memref<!tpu.dma_semaphore, #tpu.memory_space<semaphore_mem>>, %arg15: memref<!tpu.dma_semaphore, #tpu.memory_space<semaphore_mem>>, %arg16: memref<!tpu.dma_semaphore, #tpu.memory_space<semaphore_mem>>, %arg17: memref<!tpu.dma_semaphore, #tpu.memory_space<semaphore_mem>>, %arg18: memref<!tpu.dma_semaphore, #tpu.memory_space<semaphore_mem>>, %arg19: memref<!tpu.dma_semaphore, #tpu.memory_space<semaphore_mem>>, %arg20: memref<!tpu.dma_semaphore, #tpu.memory_space<semaphore_mem>>) attributes {dimension_semantics = [#tpu.dimension_semantics<core_parallel>, #tpu.dimension_semantics<subcore_parallel>], iteration_bounds = array<i64: 2, 16>, scalar_prefetch = 0 : i64, scratch_operands = 16 : i64, tpu.core_type = #tpu.core_type<sc_vector_subcore>, window_params = [{transform_indices = #map}, {transform_indices = #map}, {transform_indices = #map1}]} {
    %mul3A = arith.constant 2 : i32
    %mul3A_0 = arith.muli %arg1, %mul3A : i32
    %add3A = arith.addi %mul3A_0, %arg0 : i32
    %mul3A_1 = arith.constant 800 : i32
    %mul3A_2 = arith.muli %add3A, %mul3A_1 : i32
    %add3A_3 = arith.constant 0 : i32
    %add3A_4 = arith.addi %mul3A_2, %add3A_3 : i32
    "tpu.region"() ({
      %run_scoped3A = tpu.sem_alloc : memref<!tpu.dma_semaphore, #tpu.memory_space<semaphore_mem>>
      %dma_start3A_137 = arith.constant 0 : i32
      %dma_start3A_138 = tpu.memref_slice %arg2[%add3A_4, %dma_start3A_137] : memref<25600x128xi32, #tpu.memory_space<hbm>> -> memref<4x128xi32, #tpu.memory_space<hbm>>
      %dma_start3A_139 = arith.constant 0 : i32
      %dma_start3A_140 = tpu.memref_slice %arg2[%add3A_4, %dma_start3A_139] : memref<25600x128xi32, #tpu.memory_space<hbm>> -> memref<4x128xi32, #tpu.memory_space<hbm>>
      tpu.enqueue_dma source(%dma_start3A_140 : memref<4x128xi32, #tpu.memory_space<hbm>>) target(%arg5 : memref<4x128xi32, #tpu.memory_space<vmem>>) target_semaphore(%run_scoped3A : memref<!tpu.dma_semaphore, #tpu.memory_space<semaphore_mem>>)
      %dma_wait3A_141 = arith.constant 0 : i32
      %dma_wait3A_142 = tpu.memref_slice %arg2[%add3A_4, %dma_wait3A_141] : memref<25600x128xi32, #tpu.memory_space<hbm>> -> memref<4x128xi32, #tpu.memory_space<hbm>>
      %dma_wait3A_143 = arith.constant 0 : i32
      %dma_wait3A_144 = tpu.memref_slice %arg2[%add3A_4, %dma_wait3A_143] : memref<25600x128xi32, #tpu.memory_space<hbm>> -> memref<4x128xi32, #tpu.memory_space<hbm>>
      tpu.wait_dma2 semaphore(%run_scoped3A : memref<!tpu.dma_semaphore, #tpu.memory_space<semaphore_mem>>) src(%dma_wait3A_144 : memref<4x128xi32, #tpu.memory_space<hbm>>) dst(%arg5 : memref<4x128xi32, #tpu.memory_space<vmem>>)
      tpu.yield
    }) : () -> ()
    %dma_start3A = arith.constant 0 : i32
    %dma_start3A_5 = arith.constant 0 : i32
    %dma_start3A_6 = arith.constant 0 : i32
    %dma_start3A_7 = arith.constant 0 : i32
    %dma_start3A_8 = tpu.memref_slice %arg9[%dma_start3A_5, %dma_start3A_6, %dma_start3A_7] : memref<4x128x32xf32, #tpu.memory_space<vmem>> -> memref<1x128x32xf32, #tpu.memory_space<vmem>>
    %dma_start3A_9 = tpu.memref_squeeze %dma_start3A_8 : memref<1x128x32xf32, #tpu.memory_space<vmem>> -> memref<128x32xf32, #tpu.memory_space<vmem>>
    %dma_start3A_10 = arith.constant 0 : i32
    %dma_start3A_11 = tpu.memref_slice %arg5[%dma_start3A, %dma_start3A_10] : memref<4x128xi32, #tpu.memory_space<vmem>> -> memref<1x128xi32, #tpu.memory_space<vmem>>
    %dma_start3A_12 = tpu.memref_squeeze %dma_start3A_11 : memref<1x128xi32, #tpu.memory_space<vmem>> -> memref<128xi32, #tpu.memory_space<vmem>>
    %dma_start3A_13 = arith.constant 0 : i32
    %dma_start3A_14 = arith.constant 0 : i32
    %dma_start3A_15 = tpu.memref_slice %arg3[%dma_start3A_13, %dma_start3A_14] : memref<1000000x32xf32, #tpu.memory_space<hbm>> -> memref<1000000x32xf32, #tpu.memory_space<hbm>>
    tpu.enqueue_indirect_dma source(%dma_start3A_15 : memref<1000000x32xf32, #tpu.memory_space<hbm>>) target(%dma_start3A_9 : memref<128x32xf32, #tpu.memory_space<vmem>>) offsets(%dma_start3A_12 : memref<128xi32, #tpu.memory_space<vmem>>) semaphore(%arg13 : memref<!tpu.dma_semaphore, #tpu.memory_space<semaphore_mem>>)
    %dma_start3A_16 = arith.constant 1 : i32
    %dma_start3A_17 = arith.constant 1 : i32
    %dma_start3A_18 = arith.constant 0 : i32
    %dma_start3A_19 = arith.constant 0 : i32
    %dma_start3A_20 = tpu.memref_slice %arg9[%dma_start3A_17, %dma_start3A_18, %dma_start3A_19] : memref<4x128x32xf32, #tpu.memory_space<vmem>> -> memref<1x128x32xf32, #tpu.memory_space<vmem>>
    %dma_start3A_21 = tpu.memref_squeeze %dma_start3A_20 : memref<1x128x32xf32, #tpu.memory_space<vmem>> -> memref<128x32xf32, #tpu.memory_space<vmem>>
    %dma_start3A_22 = arith.constant 0 : i32
    %dma_start3A_23 = tpu.memref_slice %arg5[%dma_start3A_16, %dma_start3A_22] : memref<4x128xi32, #tpu.memory_space<vmem>> -> memref<1x128xi32, #tpu.memory_space<vmem>>
    %dma_start3A_24 = tpu.memref_squeeze %dma_start3A_23 : memref<1x128xi32, #tpu.memory_space<vmem>> -> memref<128xi32, #tpu.memory_space<vmem>>
    %dma_start3A_25 = arith.constant 0 : i32
    %dma_start3A_26 = arith.constant 0 : i32
    %dma_start3A_27 = tpu.memref_slice %arg3[%dma_start3A_25, %dma_start3A_26] : memref<1000000x32xf32, #tpu.memory_space<hbm>> -> memref<1000000x32xf32, #tpu.memory_space<hbm>>
    tpu.enqueue_indirect_dma source(%dma_start3A_27 : memref<1000000x32xf32, #tpu.memory_space<hbm>>) target(%dma_start3A_21 : memref<128x32xf32, #tpu.memory_space<vmem>>) offsets(%dma_start3A_24 : memref<128xi32, #tpu.memory_space<vmem>>) semaphore(%arg13 : memref<!tpu.dma_semaphore, #tpu.memory_space<semaphore_mem>>)
    %dma_start3A_28 = arith.constant 2 : i32
    %dma_start3A_29 = arith.constant 2 : i32
    %dma_start3A_30 = arith.constant 0 : i32
    %dma_start3A_31 = arith.constant 0 : i32
    %dma_start3A_32 = tpu.memref_slice %arg9[%dma_start3A_29, %dma_start3A_30, %dma_start3A_31] : memref<4x128x32xf32, #tpu.memory_space<vmem>> -> memref<1x128x32xf32, #tpu.memory_space<vmem>>
    %dma_start3A_33 = tpu.memref_squeeze %dma_start3A_32 : memref<1x128x32xf32, #tpu.memory_space<vmem>> -> memref<128x32xf32, #tpu.memory_space<vmem>>
    %dma_start3A_34 = arith.constant 0 : i32
    %dma_start3A_35 = tpu.memref_slice %arg5[%dma_start3A_28, %dma_start3A_34] : memref<4x128xi32, #tpu.memory_space<vmem>> -> memref<1x128xi32, #tpu.memory_space<vmem>>
    %dma_start3A_36 = tpu.memref_squeeze %dma_start3A_35 : memref<1x128xi32, #tpu.memory_space<vmem>> -> memref<128xi32, #tpu.memory_space<vmem>>
    %dma_start3A_37 = arith.constant 0 : i32
    %dma_start3A_38 = arith.constant 0 : i32
    %dma_start3A_39 = tpu.memref_slice %arg3[%dma_start3A_37, %dma_start3A_38] : memref<1000000x32xf32, #tpu.memory_space<hbm>> -> memref<1000000x32xf32, #tpu.memory_space<hbm>>
    tpu.enqueue_indirect_dma source(%dma_start3A_39 : memref<1000000x32xf32, #tpu.memory_space<hbm>>) target(%dma_start3A_33 : memref<128x32xf32, #tpu.memory_space<vmem>>) offsets(%dma_start3A_36 : memref<128xi32, #tpu.memory_space<vmem>>) semaphore(%arg13 : memref<!tpu.dma_semaphore, #tpu.memory_space<semaphore_mem>>)
    %dma_start3A_40 = arith.constant 3 : i32
    %dma_start3A_41 = arith.constant 3 : i32
    %dma_start3A_42 = arith.constant 0 : i32
    %dma_start3A_43 = arith.constant 0 : i32
    %dma_start3A_44 = tpu.memref_slice %arg9[%dma_start3A_41, %dma_start3A_42, %dma_start3A_43] : memref<4x128x32xf32, #tpu.memory_space<vmem>> -> memref<1x128x32xf32, #tpu.memory_space<vmem>>
    %dma_start3A_45 = tpu.memref_squeeze %dma_start3A_44 : memref<1x128x32xf32, #tpu.memory_space<vmem>> -> memref<128x32xf32, #tpu.memory_space<vmem>>
    %dma_start3A_46 = arith.constant 0 : i32
    %dma_start3A_47 = tpu.memref_slice %arg5[%dma_start3A_40, %dma_start3A_46] : memref<4x128xi32, #tpu.memory_space<vmem>> -> memref<1x128xi32, #tpu.memory_space<vmem>>
    %dma_start3A_48 = tpu.memref_squeeze %dma_start3A_47 : memref<1x128xi32, #tpu.memory_space<vmem>> -> memref<128xi32, #tpu.memory_space<vmem>>
    %dma_start3A_49 = arith.constant 0 : i32
    %dma_start3A_50 = arith.constant 0 : i32
    %dma_start3A_51 = tpu.memref_slice %arg3[%dma_start3A_49, %dma_start3A_50] : memref<1000000x32xf32, #tpu.memory_space<hbm>> -> memref<1000000x32xf32, #tpu.memory_space<hbm>>
    tpu.enqueue_indirect_dma source(%dma_start3A_51 : memref<1000000x32xf32, #tpu.memory_space<hbm>>) target(%dma_start3A_45 : memref<128x32xf32, #tpu.memory_space<vmem>>) offsets(%dma_start3A_48 : memref<128xi32, #tpu.memory_space<vmem>>) semaphore(%arg13 : memref<!tpu.dma_semaphore, #tpu.memory_space<semaphore_mem>>)
    %add3A_52 = arith.constant 4 : i32
    %add3A_53 = arith.addi %mul3A_2, %add3A_52 : i32
    "tpu.region"() ({
      %run_scoped3A = tpu.sem_alloc : memref<!tpu.dma_semaphore, #tpu.memory_space<semaphore_mem>>
      %dma_start3A_137 = arith.constant 0 : i32
      %dma_start3A_138 = tpu.memref_slice %arg2[%add3A_53, %dma_start3A_137] : memref<25600x128xi32, #tpu.memory_space<hbm>> -> memref<4x128xi32, #tpu.memory_space<hbm>>
      %dma_start3A_139 = arith.constant 0 : i32
      %dma_start3A_140 = tpu.memref_slice %arg2[%add3A_53, %dma_start3A_139] : memref<25600x128xi32, #tpu.memory_space<hbm>> -> memref<4x128xi32, #tpu.memory_space<hbm>>
      tpu.enqueue_dma source(%dma_start3A_140 : memref<4x128xi32, #tpu.memory_space<hbm>>) target(%arg6 : memref<4x128xi32, #tpu.memory_space<vmem>>) target_semaphore(%run_scoped3A : memref<!tpu.dma_semaphore, #tpu.memory_space<semaphore_mem>>)
      %dma_wait3A_141 = arith.constant 0 : i32
      %dma_wait3A_142 = tpu.memref_slice %arg2[%add3A_53, %dma_wait3A_141] : memref<25600x128xi32, #tpu.memory_space<hbm>> -> memref<4x128xi32, #tpu.memory_space<hbm>>
      %dma_wait3A_143 = arith.constant 0 : i32
      %dma_wait3A_144 = tpu.memref_slice %arg2[%add3A_53, %dma_wait3A_143] : memref<25600x128xi32, #tpu.memory_space<hbm>> -> memref<4x128xi32, #tpu.memory_space<hbm>>
      tpu.wait_dma2 semaphore(%run_scoped3A : memref<!tpu.dma_semaphore, #tpu.memory_space<semaphore_mem>>) src(%dma_wait3A_144 : memref<4x128xi32, #tpu.memory_space<hbm>>) dst(%arg6 : memref<4x128xi32, #tpu.memory_space<vmem>>)
      tpu.yield
    }) : () -> ()
    %dma_start3A_54 = arith.constant 0 : i32
    %dma_start3A_55 = arith.constant 0 : i32
    %dma_start3A_56 = arith.constant 0 : i32
    %dma_start3A_57 = arith.constant 0 : i32
    %dma_start3A_58 = tpu.memref_slice %arg10[%dma_start3A_55, %dma_start3A_56, %dma_start3A_57] : memref<4x128x32xf32, #tpu.memory_space<vmem>> -> memref<1x128x32xf32, #tpu.memory_space<vmem>>
    %dma_start3A_59 = tpu.memref_squeeze %dma_start3A_58 : memref<1x128x32xf32, #tpu.memory_space<vmem>> -> memref<128x32xf32, #tpu.memory_space<vmem>>
    %dma_start3A_60 = arith.constant 0 : i32
    %dma_start3A_61 = tpu.memref_slice %arg6[%dma_start3A_54, %dma_start3A_60] : memref<4x128xi32, #tpu.memory_space<vmem>> -> memref<1x128xi32, #tpu.memory_space<vmem>>
    %dma_start3A_62 = tpu.memref_squeeze %dma_start3A_61 : memref<1x128xi32, #tpu.memory_space<vmem>> -> memref<128xi32, #tpu.memory_space<vmem>>
    %dma_start3A_63 = arith.constant 0 : i32
    %dma_start3A_64 = arith.constant 0 : i32
    %dma_start3A_65 = tpu.memref_slice %arg3[%dma_start3A_63, %dma_start3A_64] : memref<1000000x32xf32, #tpu.memory_space<hbm>> -> memref<1000000x32xf32, #tpu.memory_space<hbm>>
    tpu.enqueue_indirect_dma source(%dma_start3A_65 : memref<1000000x32xf32, #tpu.memory_space<hbm>>) target(%dma_start3A_59 : memref<128x32xf32, #tpu.memory_space<vmem>>) offsets(%dma_start3A_62 : memref<128xi32, #tpu.memory_space<vmem>>) semaphore(%arg14 : memref<!tpu.dma_semaphore, #tpu.memory_space<semaphore_mem>>)
    %dma_start3A_66 = arith.constant 1 : i32
    %dma_start3A_67 = arith.constant 1 : i32
    %dma_start3A_68 = arith.constant 0 : i32
    %dma_start3A_69 = arith.constant 0 : i32
    %dma_start3A_70 = tpu.memref_slice %arg10[%dma_start3A_67, %dma_start3A_68, %dma_start3A_69] : memref<4x128x32xf32, #tpu.memory_space<vmem>> -> memref<1x128x32xf32, #tpu.memory_space<vmem>>
    %dma_start3A_71 = tpu.memref_squeeze %dma_start3A_70 : memref<1x128x32xf32, #tpu.memory_space<vmem>> -> memref<128x32xf32, #tpu.memory_space<vmem>>
    %dma_start3A_72 = arith.constant 0 : i32
    %dma_start3A_73 = tpu.memref_slice %arg6[%dma_start3A_66, %dma_start3A_72] : memref<4x128xi32, #tpu.memory_space<vmem>> -> memref<1x128xi32, #tpu.memory_space<vmem>>
    %dma_start3A_74 = tpu.memref_squeeze %dma_start3A_73 : memref<1x128xi32, #tpu.memory_space<vmem>> -> memref<128xi32, #tpu.memory_space<vmem>>
    %dma_start3A_75 = arith.constant 0 : i32
    %dma_start3A_76 = arith.constant 0 : i32
    %dma_start3A_77 = tpu.memref_slice %arg3[%dma_start3A_75, %dma_start3A_76] : memref<1000000x32xf32, #tpu.memory_space<hbm>> -> memref<1000000x32xf32, #tpu.memory_space<hbm>>
    tpu.enqueue_indirect_dma source(%dma_start3A_77 : memref<1000000x32xf32, #tpu.memory_space<hbm>>) target(%dma_start3A_71 : memref<128x32xf32, #tpu.memory_space<vmem>>) offsets(%dma_start3A_74 : memref<128xi32, #tpu.memory_space<vmem>>) semaphore(%arg14 : memref<!tpu.dma_semaphore, #tpu.memory_space<semaphore_mem>>)
    %dma_start3A_78 = arith.constant 2 : i32
    %dma_start3A_79 = arith.constant 2 : i32
    %dma_start3A_80 = arith.constant 0 : i32
    %dma_start3A_81 = arith.constant 0 : i32
    %dma_start3A_82 = tpu.memref_slice %arg10[%dma_start3A_79, %dma_start3A_80, %dma_start3A_81] : memref<4x128x32xf32, #tpu.memory_space<vmem>> -> memref<1x128x32xf32, #tpu.memory_space<vmem>>
    %dma_start3A_83 = tpu.memref_squeeze %dma_start3A_82 : memref<1x128x32xf32, #tpu.memory_space<vmem>> -> memref<128x32xf32, #tpu.memory_space<vmem>>
    %dma_start3A_84 = arith.constant 0 : i32
    %dma_start3A_85 = tpu.memref_slice %arg6[%dma_start3A_78, %dma_start3A_84] : memref<4x128xi32, #tpu.memory_space<vmem>> -> memref<1x128xi32, #tpu.memory_space<vmem>>
    %dma_start3A_86 = tpu.memref_squeeze %dma_start3A_85 : memref<1x128xi32, #tpu.memory_space<vmem>> -> memref<128xi32, #tpu.memory_space<vmem>>
    %dma_start3A_87 = arith.constant 0 : i32
    %dma_start3A_88 = arith.constant 0 : i32
    %dma_start3A_89 = tpu.memref_slice %arg3[%dma_start3A_87, %dma_start3A_88] : memref<1000000x32xf32, #tpu.memory_space<hbm>> -> memref<1000000x32xf32, #tpu.memory_space<hbm>>
    tpu.enqueue_indirect_dma source(%dma_start3A_89 : memref<1000000x32xf32, #tpu.memory_space<hbm>>) target(%dma_start3A_83 : memref<128x32xf32, #tpu.memory_space<vmem>>) offsets(%dma_start3A_86 : memref<128xi32, #tpu.memory_space<vmem>>) semaphore(%arg14 : memref<!tpu.dma_semaphore, #tpu.memory_space<semaphore_mem>>)
    %dma_start3A_90 = arith.constant 3 : i32
    %dma_start3A_91 = arith.constant 3 : i32
    %dma_start3A_92 = arith.constant 0 : i32
    %dma_start3A_93 = arith.constant 0 : i32
    %dma_start3A_94 = tpu.memref_slice %arg10[%dma_start3A_91, %dma_start3A_92, %dma_start3A_93] : memref<4x128x32xf32, #tpu.memory_space<vmem>> -> memref<1x128x32xf32, #tpu.memory_space<vmem>>
    %dma_start3A_95 = tpu.memref_squeeze %dma_start3A_94 : memref<1x128x32xf32, #tpu.memory_space<vmem>> -> memref<128x32xf32, #tpu.memory_space<vmem>>
    %dma_start3A_96 = arith.constant 0 : i32
    %dma_start3A_97 = tpu.memref_slice %arg6[%dma_start3A_90, %dma_start3A_96] : memref<4x128xi32, #tpu.memory_space<vmem>> -> memref<1x128xi32, #tpu.memory_space<vmem>>
    %dma_start3A_98 = tpu.memref_squeeze %dma_start3A_97 : memref<1x128xi32, #tpu.memory_space<vmem>> -> memref<128xi32, #tpu.memory_space<vmem>>
    %dma_start3A_99 = arith.constant 0 : i32
    %dma_start3A_100 = arith.constant 0 : i32
    %dma_start3A_101 = tpu.memref_slice %arg3[%dma_start3A_99, %dma_start3A_100] : memref<1000000x32xf32, #tpu.memory_space<hbm>> -> memref<1000000x32xf32, #tpu.memory_space<hbm>>
    tpu.enqueue_indirect_dma source(%dma_start3A_101 : memref<1000000x32xf32, #tpu.memory_space<hbm>>) target(%dma_start3A_95 : memref<128x32xf32, #tpu.memory_space<vmem>>) offsets(%dma_start3A_98 : memref<128xi32, #tpu.memory_space<vmem>>) semaphore(%arg14 : memref<!tpu.dma_semaphore, #tpu.memory_space<semaphore_mem>>)
    %scan3A = arith.constant 0 : i32
    %scan3A_102 = arith.constant 50 : i32
    %scan3A_103 = arith.addi %scan3A, %scan3A_102 : i32
    %scan3A_104 = arith.constant 1 : i32
    scf.for %scan3A_137 = %scan3A to %scan3A_103 step %scan3A_104  : i32 {
      %mul3A_138 = arith.constant 4 : i32
      %mul3A_139 = arith.muli %scan3A_137, %mul3A_138 : i32
      %add3A_140 = arith.constant 0 : i32
      %add3A_141 = arith.addi %add3A_140, %mul3A_139 : i32
      %add3A_142 = arith.constant 0 : i32
      %add3A_143 = arith.addi %add3A_141, %add3A_142 : i32
      %add3A_144 = arith.constant 2 : i32
      %add3A_145 = arith.addi %add3A_143, %add3A_144 : i32
      %lt3A = arith.constant 200 : i32
      %lt3A_146 = arith.cmpi slt, %add3A_145, %lt3A : i32
      %convert_element_type3A = arith.extui %lt3A_146 : i1 to i32
      %cond3A = arith.constant 0 : i32
      %cond3A_147 = arith.cmpi ne, %convert_element_type3A, %cond3A : i32
      scf.if %cond3A_147 {
        %ge3A = arith.constant 4 : i32
        %ge3A_243 = arith.cmpi sge, %add3A_145, %ge3A : i32
        %convert_element_type3A_244 = arith.extui %ge3A_243 : i1 to i32
        %cond3A_245 = arith.constant 0 : i32
        %cond3A_246 = arith.cmpi ne, %convert_element_type3A_244, %cond3A_245 : i32
        scf.if %cond3A_246 {
          %dma_wait3A_298 = arith.constant 0 : i32
          %dma_wait3A_299 = arith.constant 0 : i32
          %dma_wait3A_300 = arith.constant 0 : i32
          %dma_wait3A_301 = tpu.memref_slice %arg4[%dma_wait3A_298, %dma_wait3A_299, %dma_wait3A_300] : memref<25600x128x32xf32, #tpu.memory_space<hbm>> -> memref<4x128x32xf32, #tpu.memory_space<hbm>>
          %dma_wait3A_302 = arith.constant 0 : i32
          %dma_wait3A_303 = arith.constant 0 : i32
          %dma_wait3A_304 = arith.constant 0 : i32
          %dma_wait3A_305 = tpu.memref_slice %arg4[%dma_wait3A_302, %dma_wait3A_303, %dma_wait3A_304] : memref<25600x128x32xf32, #tpu.memory_space<hbm>> -> memref<4x128x32xf32, #tpu.memory_space<hbm>>
          tpu.wait_dma2 semaphore(%arg19 : memref<!tpu.dma_semaphore, #tpu.memory_space<semaphore_mem>>) src(%dma_wait3A_305 : memref<4x128x32xf32, #tpu.memory_space<hbm>>) dst(%arg11 : memref<4x128x32xf32, #tpu.memory_space<vmem>>)
        } else {
        }
        %mul3A_247 = arith.constant 4 : i32
        %mul3A_248 = arith.muli %add3A_145, %mul3A_247 : i32
        %add3A_249 = arith.addi %mul3A_2, %mul3A_248 : i32
        "tpu.region"() ({
          %run_scoped3A = tpu.sem_alloc : memref<!tpu.dma_semaphore, #tpu.memory_space<semaphore_mem>>
          %dma_start3A_298 = arith.constant 0 : i32
          %dma_start3A_299 = tpu.memref_slice %arg2[%add3A_249, %dma_start3A_298] : memref<25600x128xi32, #tpu.memory_space<hbm>> -> memref<4x128xi32, #tpu.memory_space<hbm>>
          %dma_start3A_300 = arith.constant 0 : i32
          %dma_start3A_301 = tpu.memref_slice %arg2[%add3A_249, %dma_start3A_300] : memref<25600x128xi32, #tpu.memory_space<hbm>> -> memref<4x128xi32, #tpu.memory_space<hbm>>
          tpu.enqueue_dma source(%dma_start3A_301 : memref<4x128xi32, #tpu.memory_space<hbm>>) target(%arg7 : memref<4x128xi32, #tpu.memory_space<vmem>>) target_semaphore(%run_scoped3A : memref<!tpu.dma_semaphore, #tpu.memory_space<semaphore_mem>>)
          %dma_wait3A_302 = arith.constant 0 : i32
          %dma_wait3A_303 = tpu.memref_slice %arg2[%add3A_249, %dma_wait3A_302] : memref<25600x128xi32, #tpu.memory_space<hbm>> -> memref<4x128xi32, #tpu.memory_space<hbm>>
          %dma_wait3A_304 = arith.constant 0 : i32
          %dma_wait3A_305 = tpu.memref_slice %arg2[%add3A_249, %dma_wait3A_304] : memref<25600x128xi32, #tpu.memory_space<hbm>> -> memref<4x128xi32, #tpu.memory_space<hbm>>
          tpu.wait_dma2 semaphore(%run_scoped3A : memref<!tpu.dma_semaphore, #tpu.memory_space<semaphore_mem>>) src(%dma_wait3A_305 : memref<4x128xi32, #tpu.memory_space<hbm>>) dst(%arg7 : memref<4x128xi32, #tpu.memory_space<vmem>>)
          tpu.yield
        }) : () -> ()
        %dma_start3A_250 = arith.constant 0 : i32
        %dma_start3A_251 = arith.constant 0 : i32
        %dma_start3A_252 = arith.constant 0 : i32
        %dma_start3A_253 = arith.constant 0 : i32
        %dma_start3A_254 = tpu.memref_slice %arg11[%dma_start3A_251, %dma_start3A_252, %dma_start3A_253] : memref<4x128x32xf32, #tpu.memory_space<vmem>> -> memref<1x128x32xf32, #tpu.memory_space<vmem>>
        %dma_start3A_255 = tpu.memref_squeeze %dma_start3A_254 : memref<1x128x32xf32, #tpu.memory_space<vmem>> -> memref<128x32xf32, #tpu.memory_space<vmem>>
        %dma_start3A_256 = arith.constant 0 : i32
        %dma_start3A_257 = tpu.memref_slice %arg7[%dma_start3A_250, %dma_start3A_256] : memref<4x128xi32, #tpu.memory_space<vmem>> -> memref<1x128xi32, #tpu.memory_space<vmem>>
        %dma_start3A_258 = tpu.memref_squeeze %dma_start3A_257 : memref<1x128xi32, #tpu.memory_space<vmem>> -> memref<128xi32, #tpu.memory_space<vmem>>
        %dma_start3A_259 = arith.constant 0 : i32
        %dma_start3A_260 = arith.constant 0 : i32
        %dma_start3A_261 = tpu.memref_slice %arg3[%dma_start3A_259, %dma_start3A_260] : memref<1000000x32xf32, #tpu.memory_space<hbm>> -> memref<1000000x32xf32, #tpu.memory_space<hbm>>
        tpu.enqueue_indirect_dma source(%dma_start3A_261 : memref<1000000x32xf32, #tpu.memory_space<hbm>>) target(%dma_start3A_255 : memref<128x32xf32, #tpu.memory_space<vmem>>) offsets(%dma_start3A_258 : memref<128xi32, #tpu.memory_space<vmem>>) semaphore(%arg15 : memref<!tpu.dma_semaphore, #tpu.memory_space<semaphore_mem>>)
        %dma_start3A_262 = arith.constant 1 : i32
        %dma_start3A_263 = arith.constant 1 : i32
        %dma_start3A_264 = arith.constant 0 : i32
        %dma_start3A_265 = arith.constant 0 : i32
        %dma_start3A_266 = tpu.memref_slice %arg11[%dma_start3A_263, %dma_start3A_264, %dma_start3A_265] : memref<4x128x32xf32, #tpu.memory_space<vmem>> -> memref<1x128x32xf32, #tpu.memory_space<vmem>>
        %dma_start3A_267 = tpu.memref_squeeze %dma_start3A_266 : memref<1x128x32xf32, #tpu.memory_space<vmem>> -> memref<128x32xf32, #tpu.memory_space<vmem>>
        %dma_start3A_268 = arith.constant 0 : i32
        %dma_start3A_269 = tpu.memref_slice %arg7[%dma_start3A_262, %dma_start3A_268] : memref<4x128xi32, #tpu.memory_space<vmem>> -> memref<1x128xi32, #tpu.memory_space<vmem>>
        %dma_start3A_270 = tpu.memref_squeeze %dma_start3A_269 : memref<1x128xi32, #tpu.memory_space<vmem>> -> memref<128xi32, #tpu.memory_space<vmem>>
        %dma_start3A_271 = arith.constant 0 : i32
        %dma_start3A_272 = arith.constant 0 : i32
        %dma_start3A_273 = tpu.memref_slice %arg3[%dma_start3A_271, %dma_start3A_272] : memref<1000000x32xf32, #tpu.memory_space<hbm>> -> memref<1000000x32xf32, #tpu.memory_space<hbm>>
        tpu.enqueue_indirect_dma source(%dma_start3A_273 : memref<1000000x32xf32, #tpu.memory_space<hbm>>) target(%dma_start3A_267 : memref<128x32xf32, #tpu.memory_space<vmem>>) offsets(%dma_start3A_270 : memref<128xi32, #tpu.memory_space<vmem>>) semaphore(%arg15 : memref<!tpu.dma_semaphore, #tpu.memory_space<semaphore_mem>>)
        %dma_start3A_274 = arith.constant 2 : i32
        %dma_start3A_275 = arith.constant 2 : i32
        %dma_start3A_276 = arith.constant 0 : i32
        %dma_start3A_277 = arith.constant 0 : i32
        %dma_start3A_278 = tpu.memref_slice %arg11[%dma_start3A_275, %dma_start3A_276, %dma_start3A_277] : memref<4x128x32xf32, #tpu.memory_space<vmem>> -> memref<1x128x32xf32, #tpu.memory_space<vmem>>
        %dma_start3A_279 = tpu.memref_squeeze %dma_start3A_278 : memref<1x128x32xf32, #tpu.memory_space<vmem>> -> memref<128x32xf32, #tpu.memory_space<vmem>>
        %dma_start3A_280 = arith.constant 0 : i32
        %dma_start3A_281 = tpu.memref_slice %arg7[%dma_start3A_274, %dma_start3A_280] : memref<4x128xi32, #tpu.memory_space<vmem>> -> memref<1x128xi32, #tpu.memory_space<vmem>>
        %dma_start3A_282 = tpu.memref_squeeze %dma_start3A_281 : memref<1x128xi32, #tpu.memory_space<vmem>> -> memref<128xi32, #tpu.memory_space<vmem>>
        %dma_start3A_283 = arith.constant 0 : i32
        %dma_start3A_284 = arith.constant 0 : i32
        %dma_start3A_285 = tpu.memref_slice %arg3[%dma_start3A_283, %dma_start3A_284] : memref<1000000x32xf32, #tpu.memory_space<hbm>> -> memref<1000000x32xf32, #tpu.memory_space<hbm>>
        tpu.enqueue_indirect_dma source(%dma_start3A_285 : memref<1000000x32xf32, #tpu.memory_space<hbm>>) target(%dma_start3A_279 : memref<128x32xf32, #tpu.memory_space<vmem>>) offsets(%dma_start3A_282 : memref<128xi32, #tpu.memory_space<vmem>>) semaphore(%arg15 : memref<!tpu.dma_semaphore, #tpu.memory_space<semaphore_mem>>)
        %dma_start3A_286 = arith.constant 3 : i32
        %dma_start3A_287 = arith.constant 3 : i32
        %dma_start3A_288 = arith.constant 0 : i32
        %dma_start3A_289 = arith.constant 0 : i32
        %dma_start3A_290 = tpu.memref_slice %arg11[%dma_start3A_287, %dma_start3A_288, %dma_start3A_289] : memref<4x128x32xf32, #tpu.memory_space<vmem>> -> memref<1x128x32xf32, #tpu.memory_space<vmem>>
        %dma_start3A_291 = tpu.memref_squeeze %dma_start3A_290 : memref<1x128x32xf32, #tpu.memory_space<vmem>> -> memref<128x32xf32, #tpu.memory_space<vmem>>
        %dma_start3A_292 = arith.constant 0 : i32
        %dma_start3A_293 = tpu.memref_slice %arg7[%dma_start3A_286, %dma_start3A_292] : memref<4x128xi32, #tpu.memory_space<vmem>> -> memref<1x128xi32, #tpu.memory_space<vmem>>
        %dma_start3A_294 = tpu.memref_squeeze %dma_start3A_293 : memref<1x128xi32, #tpu.memory_space<vmem>> -> memref<128xi32, #tpu.memory_space<vmem>>
        %dma_start3A_295 = arith.constant 0 : i32
        %dma_start3A_296 = arith.constant 0 : i32
        %dma_start3A_297 = tpu.memref_slice %arg3[%dma_start3A_295, %dma_start3A_296] : memref<1000000x32xf32, #tpu.memory_space<hbm>> -> memref<1000000x32xf32, #tpu.memory_space<hbm>>
        tpu.enqueue_indirect_dma source(%dma_start3A_297 : memref<1000000x32xf32, #tpu.memory_space<hbm>>) target(%dma_start3A_291 : memref<128x32xf32, #tpu.memory_space<vmem>>) offsets(%dma_start3A_294 : memref<128xi32, #tpu.memory_space<vmem>>) semaphore(%arg15 : memref<!tpu.dma_semaphore, #tpu.memory_space<semaphore_mem>>)
      } else {
      }
      %dma_wait3A_148 = arith.constant 0 : i32
      %dma_wait3A_149 = arith.constant 0 : i32
      %dma_wait3A_150 = arith.constant 0 : i32
      %dma_wait3A_151 = tpu.memref_slice %arg4[%dma_wait3A_148, %dma_wait3A_149, %dma_wait3A_150] : memref<25600x128x32xf32, #tpu.memory_space<hbm>> -> memref<4x128x32xf32, #tpu.memory_space<hbm>>
      %dma_wait3A_152 = arith.constant 0 : i32
      %dma_wait3A_153 = arith.constant 0 : i32
      %dma_wait3A_154 = arith.constant 0 : i32
      %dma_wait3A_155 = tpu.memref_slice %arg4[%dma_wait3A_152, %dma_wait3A_153, %dma_wait3A_154] : memref<25600x128x32xf32, #tpu.memory_space<hbm>> -> memref<4x128x32xf32, #tpu.memory_space<hbm>>
      tpu.wait_dma2 semaphore(%arg13 : memref<!tpu.dma_semaphore, #tpu.memory_space<semaphore_mem>>) src(%dma_wait3A_155 : memref<4x128x32xf32, #tpu.memory_space<hbm>>) dst(%arg9 : memref<4x128x32xf32, #tpu.memory_space<vmem>>)
      %mul3A_156 = arith.constant 4 : i32
      %mul3A_157 = arith.muli %add3A_143, %mul3A_156 : i32
      %add3A_158 = arith.addi %mul3A_2, %mul3A_157 : i32
      %dma_start3A_159 = arith.constant 0 : i32
      %dma_start3A_160 = arith.constant 0 : i32
      %dma_start3A_161 = tpu.memref_slice %arg4[%add3A_158, %dma_start3A_159, %dma_start3A_160] : memref<25600x128x32xf32, #tpu.memory_space<hbm>> -> memref<4x128x32xf32, #tpu.memory_space<hbm>>
      %dma_start3A_162 = arith.constant 0 : i32
      %dma_start3A_163 = arith.constant 0 : i32
      %dma_start3A_164 = tpu.memref_slice %arg4[%add3A_158, %dma_start3A_162, %dma_start3A_163] : memref<25600x128x32xf32, #tpu.memory_space<hbm>> -> memref<4x128x32xf32, #tpu.memory_space<hbm>>
      tpu.enqueue_dma source(%arg9 : memref<4x128x32xf32, #tpu.memory_space<vmem>>) target(%dma_start3A_164 : memref<4x128x32xf32, #tpu.memory_space<hbm>>) target_semaphore(%arg17 : memref<!tpu.dma_semaphore, #tpu.memory_space<semaphore_mem>>)
      %add3A_165 = arith.constant 1 : i32
      %add3A_166 = arith.addi %add3A_141, %add3A_165 : i32
      %add3A_167 = arith.constant 2 : i32
      %add3A_168 = arith.addi %add3A_166, %add3A_167 : i32
      %lt3A_169 = arith.constant 200 : i32
      %lt3A_170 = arith.cmpi slt, %add3A_168, %lt3A_169 : i32
      %convert_element_type3A_171 = arith.extui %lt3A_170 : i1 to i32
      %cond3A_172 = arith.constant 0 : i32
      %cond3A_173 = arith.cmpi ne, %convert_element_type3A_171, %cond3A_172 : i32
      scf.if %cond3A_173 {
        %ge3A = arith.constant 4 : i32
        %ge3A_243 = arith.cmpi sge, %add3A_168, %ge3A : i32
        %convert_element_type3A_244 = arith.extui %ge3A_243 : i1 to i32
        %cond3A_245 = arith.constant 0 : i32
        %cond3A_246 = arith.cmpi ne, %convert_element_type3A_244, %cond3A_245 : i32
        scf.if %cond3A_246 {
          %dma_wait3A_298 = arith.constant 0 : i32
          %dma_wait3A_299 = arith.constant 0 : i32
          %dma_wait3A_300 = arith.constant 0 : i32
          %dma_wait3A_301 = tpu.memref_slice %arg4[%dma_wait3A_298, %dma_wait3A_299, %dma_wait3A_300] : memref<25600x128x32xf32, #tpu.memory_space<hbm>> -> memref<4x128x32xf32, #tpu.memory_space<hbm>>
          %dma_wait3A_302 = arith.constant 0 : i32
          %dma_wait3A_303 = arith.constant 0 : i32
          %dma_wait3A_304 = arith.constant 0 : i32
          %dma_wait3A_305 = tpu.memref_slice %arg4[%dma_wait3A_302, %dma_wait3A_303, %dma_wait3A_304] : memref<25600x128x32xf32, #tpu.memory_space<hbm>> -> memref<4x128x32xf32, #tpu.memory_space<hbm>>
          tpu.wait_dma2 semaphore(%arg20 : memref<!tpu.dma_semaphore, #tpu.memory_space<semaphore_mem>>) src(%dma_wait3A_305 : memref<4x128x32xf32, #tpu.memory_space<hbm>>) dst(%arg12 : memref<4x128x32xf32, #tpu.memory_space<vmem>>)
        } else {
        }
        %mul3A_247 = arith.constant 4 : i32
        %mul3A_248 = arith.muli %add3A_168, %mul3A_247 : i32
        %add3A_249 = arith.addi %mul3A_2, %mul3A_248 : i32
        "tpu.region"() ({
          %run_scoped3A = tpu.sem_alloc : memref<!tpu.dma_semaphore, #tpu.memory_space<semaphore_mem>>
          %dma_start3A_298 = arith.constant 0 : i32
          %dma_start3A_299 = tpu.memref_slice %arg2[%add3A_249, %dma_start3A_298] : memref<25600x128xi32, #tpu.memory_space<hbm>> -> memref<4x128xi32, #tpu.memory_space<hbm>>
          %dma_start3A_300 = arith.constant 0 : i32
          %dma_start3A_301 = tpu.memref_slice %arg2[%add3A_249, %dma_start3A_300] : memref<25600x128xi32, #tpu.memory_space<hbm>> -> memref<4x128xi32, #tpu.memory_space<hbm>>
          tpu.enqueue_dma source(%dma_start3A_301 : memref<4x128xi32, #tpu.memory_space<hbm>>) target(%arg8 : memref<4x128xi32, #tpu.memory_space<vmem>>) target_semaphore(%run_scoped3A : memref<!tpu.dma_semaphore, #tpu.memory_space<semaphore_mem>>)
          %dma_wait3A_302 = arith.constant 0 : i32
          %dma_wait3A_303 = tpu.memref_slice %arg2[%add3A_249, %dma_wait3A_302] : memref<25600x128xi32, #tpu.memory_space<hbm>> -> memref<4x128xi32, #tpu.memory_space<hbm>>
          %dma_wait3A_304 = arith.constant 0 : i32
          %dma_wait3A_305 = tpu.memref_slice %arg2[%add3A_249, %dma_wait3A_304] : memref<25600x128xi32, #tpu.memory_space<hbm>> -> memref<4x128xi32, #tpu.memory_space<hbm>>
          tpu.wait_dma2 semaphore(%run_scoped3A : memref<!tpu.dma_semaphore, #tpu.memory_space<semaphore_mem>>) src(%dma_wait3A_305 : memref<4x128xi32, #tpu.memory_space<hbm>>) dst(%arg8 : memref<4x128xi32, #tpu.memory_space<vmem>>)
          tpu.yield
        }) : () -> ()
        %dma_start3A_250 = arith.constant 0 : i32
        %dma_start3A_251 = arith.constant 0 : i32
        %dma_start3A_252 = arith.constant 0 : i32
        %dma_start3A_253 = arith.constant 0 : i32
        %dma_start3A_254 = tpu.memref_slice %arg12[%dma_start3A_251, %dma_start3A_252, %dma_start3A_253] : memref<4x128x32xf32, #tpu.memory_space<vmem>> -> memref<1x128x32xf32, #tpu.memory_space<vmem>>
        %dma_start3A_255 = tpu.memref_squeeze %dma_start3A_254 : memref<1x128x32xf32, #tpu.memory_space<vmem>> -> memref<128x32xf32, #tpu.memory_space<vmem>>
        %dma_start3A_256 = arith.constant 0 : i32
        %dma_start3A_257 = tpu.memref_slice %arg8[%dma_start3A_250, %dma_start3A_256] : memref<4x128xi32, #tpu.memory_space<vmem>> -> memref<1x128xi32, #tpu.memory_space<vmem>>
        %dma_start3A_258 = tpu.memref_squeeze %dma_start3A_257 : memref<1x128xi32, #tpu.memory_space<vmem>> -> memref<128xi32, #tpu.memory_space<vmem>>
        %dma_start3A_259 = arith.constant 0 : i32
        %dma_start3A_260 = arith.constant 0 : i32
        %dma_start3A_261 = tpu.memref_slice %arg3[%dma_start3A_259, %dma_start3A_260] : memref<1000000x32xf32, #tpu.memory_space<hbm>> -> memref<1000000x32xf32, #tpu.memory_space<hbm>>
        tpu.enqueue_indirect_dma source(%dma_start3A_261 : memref<1000000x32xf32, #tpu.memory_space<hbm>>) target(%dma_start3A_255 : memref<128x32xf32, #tpu.memory_space<vmem>>) offsets(%dma_start3A_258 : memref<128xi32, #tpu.memory_space<vmem>>) semaphore(%arg16 : memref<!tpu.dma_semaphore, #tpu.memory_space<semaphore_mem>>)
        %dma_start3A_262 = arith.constant 1 : i32
        %dma_start3A_263 = arith.constant 1 : i32
        %dma_start3A_264 = arith.constant 0 : i32
        %dma_start3A_265 = arith.constant 0 : i32
        %dma_start3A_266 = tpu.memref_slice %arg12[%dma_start3A_263, %dma_start3A_264, %dma_start3A_265] : memref<4x128x32xf32, #tpu.memory_space<vmem>> -> memref<1x128x32xf32, #tpu.memory_space<vmem>>
        %dma_start3A_267 = tpu.memref_squeeze %dma_start3A_266 : memref<1x128x32xf32, #tpu.memory_space<vmem>> -> memref<128x32xf32, #tpu.memory_space<vmem>>
        %dma_start3A_268 = arith.constant 0 : i32
        %dma_start3A_269 = tpu.memref_slice %arg8[%dma_start3A_262, %dma_start3A_268] : memref<4x128xi32, #tpu.memory_space<vmem>> -> memref<1x128xi32, #tpu.memory_space<vmem>>
        %dma_start3A_270 = tpu.memref_squeeze %dma_start3A_269 : memref<1x128xi32, #tpu.memory_space<vmem>> -> memref<128xi32, #tpu.memory_space<vmem>>
        %dma_start3A_271 = arith.constant 0 : i32
        %dma_start3A_272 = arith.constant 0 : i32
        %dma_start3A_273 = tpu.memref_slice %arg3[%dma_start3A_271, %dma_start3A_272] : memref<1000000x32xf32, #tpu.memory_space<hbm>> -> memref<1000000x32xf32, #tpu.memory_space<hbm>>
        tpu.enqueue_indirect_dma source(%dma_start3A_273 : memref<1000000x32xf32, #tpu.memory_space<hbm>>) target(%dma_start3A_267 : memref<128x32xf32, #tpu.memory_space<vmem>>) offsets(%dma_start3A_270 : memref<128xi32, #tpu.memory_space<vmem>>) semaphore(%arg16 : memref<!tpu.dma_semaphore, #tpu.memory_space<semaphore_mem>>)
        %dma_start3A_274 = arith.constant 2 : i32
        %dma_start3A_275 = arith.constant 2 : i32
        %dma_start3A_276 = arith.constant 0 : i32
        %dma_start3A_277 = arith.constant 0 : i32
        %dma_start3A_278 = tpu.memref_slice %arg12[%dma_start3A_275, %dma_start3A_276, %dma_start3A_277] : memref<4x128x32xf32, #tpu.memory_space<vmem>> -> memref<1x128x32xf32, #tpu.memory_space<vmem>>
        %dma_start3A_279 = tpu.memref_squeeze %dma_start3A_278 : memref<1x128x32xf32, #tpu.memory_space<vmem>> -> memref<128x32xf32, #tpu.memory_space<vmem>>
        %dma_start3A_280 = arith.constant 0 : i32
        %dma_start3A_281 = tpu.memref_slice %arg8[%dma_start3A_274, %dma_start3A_280] : memref<4x128xi32, #tpu.memory_space<vmem>> -> memref<1x128xi32, #tpu.memory_space<vmem>>
        %dma_start3A_282 = tpu.memref_squeeze %dma_start3A_281 : memref<1x128xi32, #tpu.memory_space<vmem>> -> memref<128xi32, #tpu.memory_space<vmem>>
        %dma_start3A_283 = arith.constant 0 : i32
        %dma_start3A_284 = arith.constant 0 : i32
        %dma_start3A_285 = tpu.memref_slice %arg3[%dma_start3A_283, %dma_start3A_284] : memref<1000000x32xf32, #tpu.memory_space<hbm>> -> memref<1000000x32xf32, #tpu.memory_space<hbm>>
        tpu.enqueue_indirect_dma source(%dma_start3A_285 : memref<1000000x32xf32, #tpu.memory_space<hbm>>) target(%dma_start3A_279 : memref<128x32xf32, #tpu.memory_space<vmem>>) offsets(%dma_start3A_282 : memref<128xi32, #tpu.memory_space<vmem>>) semaphore(%arg16 : memref<!tpu.dma_semaphore, #tpu.memory_space<semaphore_mem>>)
        %dma_start3A_286 = arith.constant 3 : i32
        %dma_start3A_287 = arith.constant 3 : i32
        %dma_start3A_288 = arith.constant 0 : i32
        %dma_start3A_289 = arith.constant 0 : i32
        %dma_start3A_290 = tpu.memref_slice %arg12[%dma_start3A_287, %dma_start3A_288, %dma_start3A_289] : memref<4x128x32xf32, #tpu.memory_space<vmem>> -> memref<1x128x32xf32, #tpu.memory_space<vmem>>
        %dma_start3A_291 = tpu.memref_squeeze %dma_start3A_290 : memref<1x128x32xf32, #tpu.memory_space<vmem>> -> memref<128x32xf32, #tpu.memory_space<vmem>>
        %dma_start3A_292 = arith.constant 0 : i32
        %dma_start3A_293 = tpu.memref_slice %arg8[%dma_start3A_286, %dma_start3A_292] : memref<4x128xi32, #tpu.memory_space<vmem>> -> memref<1x128xi32, #tpu.memory_space<vmem>>
        %dma_start3A_294 = tpu.memref_squeeze %dma_start3A_293 : memref<1x128xi32, #tpu.memory_space<vmem>> -> memref<128xi32, #tpu.memory_space<vmem>>
        %dma_start3A_295 = arith.constant 0 : i32
        %dma_start3A_296 = arith.constant 0 : i32
        %dma_start3A_297 = tpu.memref_slice %arg3[%dma_start3A_295, %dma_start3A_296] : memref<1000000x32xf32, #tpu.memory_space<hbm>> -> memref<1000000x32xf32, #tpu.memory_space<hbm>>
        tpu.enqueue_indirect_dma source(%dma_start3A_297 : memref<1000000x32xf32, #tpu.memory_space<hbm>>) target(%dma_start3A_291 : memref<128x32xf32, #tpu.memory_space<vmem>>) offsets(%dma_start3A_294 : memref<128xi32, #tpu.memory_space<vmem>>) semaphore(%arg16 : memref<!tpu.dma_semaphore, #tpu.memory_space<semaphore_mem>>)
      } else {
      }
      %dma_wait3A_174 = arith.constant 0 : i32
      %dma_wait3A_175 = arith.constant 0 : i32
      %dma_wait3A_176 = arith.constant 0 : i32
      %dma_wait3A_177 = tpu.memref_slice %arg4[%dma_wait3A_174, %dma_wait3A_175, %dma_wait3A_176] : memref<25600x128x32xf32, #tpu.memory_space<hbm>> -> memref<4x128x32xf32, #tpu.memory_space<hbm>>
      %dma_wait3A_178 = arith.constant 0 : i32
      %dma_wait3A_179 = arith.constant 0 : i32
      %dma_wait3A_180 = arith.constant 0 : i32
      %dma_wait3A_181 = tpu.memref_slice %arg4[%dma_wait3A_178, %dma_wait3A_179, %dma_wait3A_180] : memref<25600x128x32xf32, #tpu.memory_space<hbm>> -> memref<4x128x32xf32, #tpu.memory_space<hbm>>
      tpu.wait_dma2 semaphore(%arg14 : memref<!tpu.dma_semaphore, #tpu.memory_space<semaphore_mem>>) src(%dma_wait3A_181 : memref<4x128x32xf32, #tpu.memory_space<hbm>>) dst(%arg10 : memref<4x128x32xf32, #tpu.memory_space<vmem>>)
      %mul3A_182 = arith.constant 4 : i32
      %mul3A_183 = arith.muli %add3A_166, %mul3A_182 : i32
      %add3A_184 = arith.addi %mul3A_2, %mul3A_183 : i32
      %dma_start3A_185 = arith.constant 0 : i32
      %dma_start3A_186 = arith.constant 0 : i32
      %dma_start3A_187 = tpu.memref_slice %arg4[%add3A_184, %dma_start3A_185, %dma_start3A_186] : memref<25600x128x32xf32, #tpu.memory_space<hbm>> -> memref<4x128x32xf32, #tpu.memory_space<hbm>>
      %dma_start3A_188 = arith.constant 0 : i32
      %dma_start3A_189 = arith.constant 0 : i32
      %dma_start3A_190 = tpu.memref_slice %arg4[%add3A_184, %dma_start3A_188, %dma_start3A_189] : memref<25600x128x32xf32, #tpu.memory_space<hbm>> -> memref<4x128x32xf32, #tpu.memory_space<hbm>>
      tpu.enqueue_dma source(%arg10 : memref<4x128x32xf32, #tpu.memory_space<vmem>>) target(%dma_start3A_190 : memref<4x128x32xf32, #tpu.memory_space<hbm>>) target_semaphore(%arg18 : memref<!tpu.dma_semaphore, #tpu.memory_space<semaphore_mem>>)
      %add3A_191 = arith.constant 2 : i32
      %add3A_192 = arith.addi %add3A_141, %add3A_191 : i32
      %add3A_193 = arith.constant 2 : i32
      %add3A_194 = arith.addi %add3A_192, %add3A_193 : i32
      %lt3A_195 = arith.constant 200 : i32
      %lt3A_196 = arith.cmpi slt, %add3A_194, %lt3A_195 : i32
      %convert_element_type3A_197 = arith.extui %lt3A_196 : i1 to i32
      %cond3A_198 = arith.constant 0 : i32
      %cond3A_199 = arith.cmpi ne, %convert_element_type3A_197, %cond3A_198 : i32
      scf.if %cond3A_199 {
        %ge3A = arith.constant 4 : i32
        %ge3A_243 = arith.cmpi sge, %add3A_194, %ge3A : i32
        %convert_element_type3A_244 = arith.extui %ge3A_243 : i1 to i32
        %cond3A_245 = arith.constant 0 : i32
        %cond3A_246 = arith.cmpi ne, %convert_element_type3A_244, %cond3A_245 : i32
        scf.if %cond3A_246 {
          %dma_wait3A_298 = arith.constant 0 : i32
          %dma_wait3A_299 = arith.constant 0 : i32
          %dma_wait3A_300 = arith.constant 0 : i32
          %dma_wait3A_301 = tpu.memref_slice %arg4[%dma_wait3A_298, %dma_wait3A_299, %dma_wait3A_300] : memref<25600x128x32xf32, #tpu.memory_space<hbm>> -> memref<4x128x32xf32, #tpu.memory_space<hbm>>
          %dma_wait3A_302 = arith.constant 0 : i32
          %dma_wait3A_303 = arith.constant 0 : i32
          %dma_wait3A_304 = arith.constant 0 : i32
          %dma_wait3A_305 = tpu.memref_slice %arg4[%dma_wait3A_302, %dma_wait3A_303, %dma_wait3A_304] : memref<25600x128x32xf32, #tpu.memory_space<hbm>> -> memref<4x128x32xf32, #tpu.memory_space<hbm>>
          tpu.wait_dma2 semaphore(%arg17 : memref<!tpu.dma_semaphore, #tpu.memory_space<semaphore_mem>>) src(%dma_wait3A_305 : memref<4x128x32xf32, #tpu.memory_space<hbm>>) dst(%arg9 : memref<4x128x32xf32, #tpu.memory_space<vmem>>)
        } else {
        }
        %mul3A_247 = arith.constant 4 : i32
        %mul3A_248 = arith.muli %add3A_194, %mul3A_247 : i32
        %add3A_249 = arith.addi %mul3A_2, %mul3A_248 : i32
        "tpu.region"() ({
          %run_scoped3A = tpu.sem_alloc : memref<!tpu.dma_semaphore, #tpu.memory_space<semaphore_mem>>
          %dma_start3A_298 = arith.constant 0 : i32
          %dma_start3A_299 = tpu.memref_slice %arg2[%add3A_249, %dma_start3A_298] : memref<25600x128xi32, #tpu.memory_space<hbm>> -> memref<4x128xi32, #tpu.memory_space<hbm>>
          %dma_start3A_300 = arith.constant 0 : i32
          %dma_start3A_301 = tpu.memref_slice %arg2[%add3A_249, %dma_start3A_300] : memref<25600x128xi32, #tpu.memory_space<hbm>> -> memref<4x128xi32, #tpu.memory_space<hbm>>
          tpu.enqueue_dma source(%dma_start3A_301 : memref<4x128xi32, #tpu.memory_space<hbm>>) target(%arg5 : memref<4x128xi32, #tpu.memory_space<vmem>>) target_semaphore(%run_scoped3A : memref<!tpu.dma_semaphore, #tpu.memory_space<semaphore_mem>>)
          %dma_wait3A_302 = arith.constant 0 : i32
          %dma_wait3A_303 = tpu.memref_slice %arg2[%add3A_249, %dma_wait3A_302] : memref<25600x128xi32, #tpu.memory_space<hbm>> -> memref<4x128xi32, #tpu.memory_space<hbm>>
          %dma_wait3A_304 = arith.constant 0 : i32
          %dma_wait3A_305 = tpu.memref_slice %arg2[%add3A_249, %dma_wait3A_304] : memref<25600x128xi32, #tpu.memory_space<hbm>> -> memref<4x128xi32, #tpu.memory_space<hbm>>
          tpu.wait_dma2 semaphore(%run_scoped3A : memref<!tpu.dma_semaphore, #tpu.memory_space<semaphore_mem>>) src(%dma_wait3A_305 : memref<4x128xi32, #tpu.memory_space<hbm>>) dst(%arg5 : memref<4x128xi32, #tpu.memory_space<vmem>>)
          tpu.yield
        }) : () -> ()
        %dma_start3A_250 = arith.constant 0 : i32
        %dma_start3A_251 = arith.constant 0 : i32
        %dma_start3A_252 = arith.constant 0 : i32
        %dma_start3A_253 = arith.constant 0 : i32
        %dma_start3A_254 = tpu.memref_slice %arg9[%dma_start3A_251, %dma_start3A_252, %dma_start3A_253] : memref<4x128x32xf32, #tpu.memory_space<vmem>> -> memref<1x128x32xf32, #tpu.memory_space<vmem>>
        %dma_start3A_255 = tpu.memref_squeeze %dma_start3A_254 : memref<1x128x32xf32, #tpu.memory_space<vmem>> -> memref<128x32xf32, #tpu.memory_space<vmem>>
        %dma_start3A_256 = arith.constant 0 : i32
        %dma_start3A_257 = tpu.memref_slice %arg5[%dma_start3A_250, %dma_start3A_256] : memref<4x128xi32, #tpu.memory_space<vmem>> -> memref<1x128xi32, #tpu.memory_space<vmem>>
        %dma_start3A_258 = tpu.memref_squeeze %dma_start3A_257 : memref<1x128xi32, #tpu.memory_space<vmem>> -> memref<128xi32, #tpu.memory_space<vmem>>
        %dma_start3A_259 = arith.constant 0 : i32
        %dma_start3A_260 = arith.constant 0 : i32
        %dma_start3A_261 = tpu.memref_slice %arg3[%dma_start3A_259, %dma_start3A_260] : memref<1000000x32xf32, #tpu.memory_space<hbm>> -> memref<1000000x32xf32, #tpu.memory_space<hbm>>
        tpu.enqueue_indirect_dma source(%dma_start3A_261 : memref<1000000x32xf32, #tpu.memory_space<hbm>>) target(%dma_start3A_255 : memref<128x32xf32, #tpu.memory_space<vmem>>) offsets(%dma_start3A_258 : memref<128xi32, #tpu.memory_space<vmem>>) semaphore(%arg13 : memref<!tpu.dma_semaphore, #tpu.memory_space<semaphore_mem>>)
        %dma_start3A_262 = arith.constant 1 : i32
        %dma_start3A_263 = arith.constant 1 : i32
        %dma_start3A_264 = arith.constant 0 : i32
        %dma_start3A_265 = arith.constant 0 : i32
        %dma_start3A_266 = tpu.memref_slice %arg9[%dma_start3A_263, %dma_start3A_264, %dma_start3A_265] : memref<4x128x32xf32, #tpu.memory_space<vmem>> -> memref<1x128x32xf32, #tpu.memory_space<vmem>>
        %dma_start3A_267 = tpu.memref_squeeze %dma_start3A_266 : memref<1x128x32xf32, #tpu.memory_space<vmem>> -> memref<128x32xf32, #tpu.memory_space<vmem>>
        %dma_start3A_268 = arith.constant 0 : i32
        %dma_start3A_269 = tpu.memref_slice %arg5[%dma_start3A_262, %dma_start3A_268] : memref<4x128xi32, #tpu.memory_space<vmem>> -> memref<1x128xi32, #tpu.memory_space<vmem>>
        %dma_start3A_270 = tpu.memref_squeeze %dma_start3A_269 : memref<1x128xi32, #tpu.memory_space<vmem>> -> memref<128xi32, #tpu.memory_space<vmem>>
        %dma_start3A_271 = arith.constant 0 : i32
        %dma_start3A_272 = arith.constant 0 : i32
        %dma_start3A_273 = tpu.memref_slice %arg3[%dma_start3A_271, %dma_start3A_272] : memref<1000000x32xf32, #tpu.memory_space<hbm>> -> memref<1000000x32xf32, #tpu.memory_space<hbm>>
        tpu.enqueue_indirect_dma source(%dma_start3A_273 : memref<1000000x32xf32, #tpu.memory_space<hbm>>) target(%dma_start3A_267 : memref<128x32xf32, #tpu.memory_space<vmem>>) offsets(%dma_start3A_270 : memref<128xi32, #tpu.memory_space<vmem>>) semaphore(%arg13 : memref<!tpu.dma_semaphore, #tpu.memory_space<semaphore_mem>>)
        %dma_start3A_274 = arith.constant 2 : i32
        %dma_start3A_275 = arith.constant 2 : i32
        %dma_start3A_276 = arith.constant 0 : i32
        %dma_start3A_277 = arith.constant 0 : i32
        %dma_start3A_278 = tpu.memref_slice %arg9[%dma_start3A_275, %dma_start3A_276, %dma_start3A_277] : memref<4x128x32xf32, #tpu.memory_space<vmem>> -> memref<1x128x32xf32, #tpu.memory_space<vmem>>
        %dma_start3A_279 = tpu.memref_squeeze %dma_start3A_278 : memref<1x128x32xf32, #tpu.memory_space<vmem>> -> memref<128x32xf32, #tpu.memory_space<vmem>>
        %dma_start3A_280 = arith.constant 0 : i32
        %dma_start3A_281 = tpu.memref_slice %arg5[%dma_start3A_274, %dma_start3A_280] : memref<4x128xi32, #tpu.memory_space<vmem>> -> memref<1x128xi32, #tpu.memory_space<vmem>>
        %dma_start3A_282 = tpu.memref_squeeze %dma_start3A_281 : memref<1x128xi32, #tpu.memory_space<vmem>> -> memref<128xi32, #tpu.memory_space<vmem>>
        %dma_start3A_283 = arith.constant 0 : i32
        %dma_start3A_284 = arith.constant 0 : i32
        %dma_start3A_285 = tpu.memref_slice %arg3[%dma_start3A_283, %dma_start3A_284] : memref<1000000x32xf32, #tpu.memory_space<hbm>> -> memref<1000000x32xf32, #tpu.memory_space<hbm>>
        tpu.enqueue_indirect_dma source(%dma_start3A_285 : memref<1000000x32xf32, #tpu.memory_space<hbm>>) target(%dma_start3A_279 : memref<128x32xf32, #tpu.memory_space<vmem>>) offsets(%dma_start3A_282 : memref<128xi32, #tpu.memory_space<vmem>>) semaphore(%arg13 : memref<!tpu.dma_semaphore, #tpu.memory_space<semaphore_mem>>)
        %dma_start3A_286 = arith.constant 3 : i32
        %dma_start3A_287 = arith.constant 3 : i32
        %dma_start3A_288 = arith.constant 0 : i32
        %dma_start3A_289 = arith.constant 0 : i32
        %dma_start3A_290 = tpu.memref_slice %arg9[%dma_start3A_287, %dma_start3A_288, %dma_start3A_289] : memref<4x128x32xf32, #tpu.memory_space<vmem>> -> memref<1x128x32xf32, #tpu.memory_space<vmem>>
        %dma_start3A_291 = tpu.memref_squeeze %dma_start3A_290 : memref<1x128x32xf32, #tpu.memory_space<vmem>> -> memref<128x32xf32, #tpu.memory_space<vmem>>
        %dma_start3A_292 = arith.constant 0 : i32
        %dma_start3A_293 = tpu.memref_slice %arg5[%dma_start3A_286, %dma_start3A_292] : memref<4x128xi32, #tpu.memory_space<vmem>> -> memref<1x128xi32, #tpu.memory_space<vmem>>
        %dma_start3A_294 = tpu.memref_squeeze %dma_start3A_293 : memref<1x128xi32, #tpu.memory_space<vmem>> -> memref<128xi32, #tpu.memory_space<vmem>>
        %dma_start3A_295 = arith.constant 0 : i32
        %dma_start3A_296 = arith.constant 0 : i32
        %dma_start3A_297 = tpu.memref_slice %arg3[%dma_start3A_295, %dma_start3A_296] : memref<1000000x32xf32, #tpu.memory_space<hbm>> -> memref<1000000x32xf32, #tpu.memory_space<hbm>>
        tpu.enqueue_indirect_dma source(%dma_start3A_297 : memref<1000000x32xf32, #tpu.memory_space<hbm>>) target(%dma_start3A_291 : memref<128x32xf32, #tpu.memory_space<vmem>>) offsets(%dma_start3A_294 : memref<128xi32, #tpu.memory_space<vmem>>) semaphore(%arg13 : memref<!tpu.dma_semaphore, #tpu.memory_space<semaphore_mem>>)
      } else {
      }
      %dma_wait3A_200 = arith.constant 0 : i32
      %dma_wait3A_201 = arith.constant 0 : i32
      %dma_wait3A_202 = arith.constant 0 : i32
      %dma_wait3A_203 = tpu.memref_slice %arg4[%dma_wait3A_200, %dma_wait3A_201, %dma_wait3A_202] : memref<25600x128x32xf32, #tpu.memory_space<hbm>> -> memref<4x128x32xf32, #tpu.memory_space<hbm>>
      %dma_wait3A_204 = arith.constant 0 : i32
      %dma_wait3A_205 = arith.constant 0 : i32
      %dma_wait3A_206 = arith.constant 0 : i32
      %dma_wait3A_207 = tpu.memref_slice %arg4[%dma_wait3A_204, %dma_wait3A_205, %dma_wait3A_206] : memref<25600x128x32xf32, #tpu.memory_space<hbm>> -> memref<4x128x32xf32, #tpu.memory_space<hbm>>
      tpu.wait_dma2 semaphore(%arg15 : memref<!tpu.dma_semaphore, #tpu.memory_space<semaphore_mem>>) src(%dma_wait3A_207 : memref<4x128x32xf32, #tpu.memory_space<hbm>>) dst(%arg11 : memref<4x128x32xf32, #tpu.memory_space<vmem>>)
      %mul3A_208 = arith.constant 4 : i32
      %mul3A_209 = arith.muli %add3A_192, %mul3A_208 : i32
      %add3A_210 = arith.addi %mul3A_2, %mul3A_209 : i32
      %dma_start3A_211 = arith.constant 0 : i32
      %dma_start3A_212 = arith.constant 0 : i32
      %dma_start3A_213 = tpu.memref_slice %arg4[%add3A_210, %dma_start3A_211, %dma_start3A_212] : memref<25600x128x32xf32, #tpu.memory_space<hbm>> -> memref<4x128x32xf32, #tpu.memory_space<hbm>>
      %dma_start3A_214 = arith.constant 0 : i32
      %dma_start3A_215 = arith.constant 0 : i32
      %dma_start3A_216 = tpu.memref_slice %arg4[%add3A_210, %dma_start3A_214, %dma_start3A_215] : memref<25600x128x32xf32, #tpu.memory_space<hbm>> -> memref<4x128x32xf32, #tpu.memory_space<hbm>>
      tpu.enqueue_dma source(%arg11 : memref<4x128x32xf32, #tpu.memory_space<vmem>>) target(%dma_start3A_216 : memref<4x128x32xf32, #tpu.memory_space<hbm>>) target_semaphore(%arg19 : memref<!tpu.dma_semaphore, #tpu.memory_space<semaphore_mem>>)
      %add3A_217 = arith.constant 3 : i32
      %add3A_218 = arith.addi %add3A_141, %add3A_217 : i32
      %add3A_219 = arith.constant 2 : i32
      %add3A_220 = arith.addi %add3A_218, %add3A_219 : i32
      %lt3A_221 = arith.constant 200 : i32
      %lt3A_222 = arith.cmpi slt, %add3A_220, %lt3A_221 : i32
      %convert_element_type3A_223 = arith.extui %lt3A_222 : i1 to i32
      %cond3A_224 = arith.constant 0 : i32
      %cond3A_225 = arith.cmpi ne, %convert_element_type3A_223, %cond3A_224 : i32
      scf.if %cond3A_225 {
        %ge3A = arith.constant 4 : i32
        %ge3A_243 = arith.cmpi sge, %add3A_220, %ge3A : i32
        %convert_element_type3A_244 = arith.extui %ge3A_243 : i1 to i32
        %cond3A_245 = arith.constant 0 : i32
        %cond3A_246 = arith.cmpi ne, %convert_element_type3A_244, %cond3A_245 : i32
        scf.if %cond3A_246 {
          %dma_wait3A_298 = arith.constant 0 : i32
          %dma_wait3A_299 = arith.constant 0 : i32
          %dma_wait3A_300 = arith.constant 0 : i32
          %dma_wait3A_301 = tpu.memref_slice %arg4[%dma_wait3A_298, %dma_wait3A_299, %dma_wait3A_300] : memref<25600x128x32xf32, #tpu.memory_space<hbm>> -> memref<4x128x32xf32, #tpu.memory_space<hbm>>
          %dma_wait3A_302 = arith.constant 0 : i32
          %dma_wait3A_303 = arith.constant 0 : i32
          %dma_wait3A_304 = arith.constant 0 : i32
          %dma_wait3A_305 = tpu.memref_slice %arg4[%dma_wait3A_302, %dma_wait3A_303, %dma_wait3A_304] : memref<25600x128x32xf32, #tpu.memory_space<hbm>> -> memref<4x128x32xf32, #tpu.memory_space<hbm>>
          tpu.wait_dma2 semaphore(%arg18 : memref<!tpu.dma_semaphore, #tpu.memory_space<semaphore_mem>>) src(%dma_wait3A_305 : memref<4x128x32xf32, #tpu.memory_space<hbm>>) dst(%arg10 : memref<4x128x32xf32, #tpu.memory_space<vmem>>)
        } else {
        }
        %mul3A_247 = arith.constant 4 : i32
        %mul3A_248 = arith.muli %add3A_220, %mul3A_247 : i32
        %add3A_249 = arith.addi %mul3A_2, %mul3A_248 : i32
        "tpu.region"() ({
          %run_scoped3A = tpu.sem_alloc : memref<!tpu.dma_semaphore, #tpu.memory_space<semaphore_mem>>
          %dma_start3A_298 = arith.constant 0 : i32
          %dma_start3A_299 = tpu.memref_slice %arg2[%add3A_249, %dma_start3A_298] : memref<25600x128xi32, #tpu.memory_space<hbm>> -> memref<4x128xi32, #tpu.memory_space<hbm>>
          %dma_start3A_300 = arith.constant 0 : i32
          %dma_start3A_301 = tpu.memref_slice %arg2[%add3A_249, %dma_start3A_300] : memref<25600x128xi32, #tpu.memory_space<hbm>> -> memref<4x128xi32, #tpu.memory_space<hbm>>
          tpu.enqueue_dma source(%dma_start3A_301 : memref<4x128xi32, #tpu.memory_space<hbm>>) target(%arg6 : memref<4x128xi32, #tpu.memory_space<vmem>>) target_semaphore(%run_scoped3A : memref<!tpu.dma_semaphore, #tpu.memory_space<semaphore_mem>>)
          %dma_wait3A_302 = arith.constant 0 : i32
          %dma_wait3A_303 = tpu.memref_slice %arg2[%add3A_249, %dma_wait3A_302] : memref<25600x128xi32, #tpu.memory_space<hbm>> -> memref<4x128xi32, #tpu.memory_space<hbm>>
          %dma_wait3A_304 = arith.constant 0 : i32
          %dma_wait3A_305 = tpu.memref_slice %arg2[%add3A_249, %dma_wait3A_304] : memref<25600x128xi32, #tpu.memory_space<hbm>> -> memref<4x128xi32, #tpu.memory_space<hbm>>
          tpu.wait_dma2 semaphore(%run_scoped3A : memref<!tpu.dma_semaphore, #tpu.memory_space<semaphore_mem>>) src(%dma_wait3A_305 : memref<4x128xi32, #tpu.memory_space<hbm>>) dst(%arg6 : memref<4x128xi32, #tpu.memory_space<vmem>>)
          tpu.yield
        }) : () -> ()
        %dma_start3A_250 = arith.constant 0 : i32
        %dma_start3A_251 = arith.constant 0 : i32
        %dma_start3A_252 = arith.constant 0 : i32
        %dma_start3A_253 = arith.constant 0 : i32
        %dma_start3A_254 = tpu.memref_slice %arg10[%dma_start3A_251, %dma_start3A_252, %dma_start3A_253] : memref<4x128x32xf32, #tpu.memory_space<vmem>> -> memref<1x128x32xf32, #tpu.memory_space<vmem>>
        %dma_start3A_255 = tpu.memref_squeeze %dma_start3A_254 : memref<1x128x32xf32, #tpu.memory_space<vmem>> -> memref<128x32xf32, #tpu.memory_space<vmem>>
        %dma_start3A_256 = arith.constant 0 : i32
        %dma_start3A_257 = tpu.memref_slice %arg6[%dma_start3A_250, %dma_start3A_256] : memref<4x128xi32, #tpu.memory_space<vmem>> -> memref<1x128xi32, #tpu.memory_space<vmem>>
        %dma_start3A_258 = tpu.memref_squeeze %dma_start3A_257 : memref<1x128xi32, #tpu.memory_space<vmem>> -> memref<128xi32, #tpu.memory_space<vmem>>
        %dma_start3A_259 = arith.constant 0 : i32
        %dma_start3A_260 = arith.constant 0 : i32
        %dma_start3A_261 = tpu.memref_slice %arg3[%dma_start3A_259, %dma_start3A_260] : memref<1000000x32xf32, #tpu.memory_space<hbm>> -> memref<1000000x32xf32, #tpu.memory_space<hbm>>
        tpu.enqueue_indirect_dma source(%dma_start3A_261 : memref<1000000x32xf32, #tpu.memory_space<hbm>>) target(%dma_start3A_255 : memref<128x32xf32, #tpu.memory_space<vmem>>) offsets(%dma_start3A_258 : memref<128xi32, #tpu.memory_space<vmem>>) semaphore(%arg14 : memref<!tpu.dma_semaphore, #tpu.memory_space<semaphore_mem>>)
        %dma_start3A_262 = arith.constant 1 : i32
        %dma_start3A_263 = arith.constant 1 : i32
        %dma_start3A_264 = arith.constant 0 : i32
        %dma_start3A_265 = arith.constant 0 : i32
        %dma_start3A_266 = tpu.memref_slice %arg10[%dma_start3A_263, %dma_start3A_264, %dma_start3A_265] : memref<4x128x32xf32, #tpu.memory_space<vmem>> -> memref<1x128x32xf32, #tpu.memory_space<vmem>>
        %dma_start3A_267 = tpu.memref_squeeze %dma_start3A_266 : memref<1x128x32xf32, #tpu.memory_space<vmem>> -> memref<128x32xf32, #tpu.memory_space<vmem>>
        %dma_start3A_268 = arith.constant 0 : i32
        %dma_start3A_269 = tpu.memref_slice %arg6[%dma_start3A_262, %dma_start3A_268] : memref<4x128xi32, #tpu.memory_space<vmem>> -> memref<1x128xi32, #tpu.memory_space<vmem>>
        %dma_start3A_270 = tpu.memref_squeeze %dma_start3A_269 : memref<1x128xi32, #tpu.memory_space<vmem>> -> memref<128xi32, #tpu.memory_space<vmem>>
        %dma_start3A_271 = arith.constant 0 : i32
        %dma_start3A_272 = arith.constant 0 : i32
        %dma_start3A_273 = tpu.memref_slice %arg3[%dma_start3A_271, %dma_start3A_272] : memref<1000000x32xf32, #tpu.memory_space<hbm>> -> memref<1000000x32xf32, #tpu.memory_space<hbm>>
        tpu.enqueue_indirect_dma source(%dma_start3A_273 : memref<1000000x32xf32, #tpu.memory_space<hbm>>) target(%dma_start3A_267 : memref<128x32xf32, #tpu.memory_space<vmem>>) offsets(%dma_start3A_270 : memref<128xi32, #tpu.memory_space<vmem>>) semaphore(%arg14 : memref<!tpu.dma_semaphore, #tpu.memory_space<semaphore_mem>>)
        %dma_start3A_274 = arith.constant 2 : i32
        %dma_start3A_275 = arith.constant 2 : i32
        %dma_start3A_276 = arith.constant 0 : i32
        %dma_start3A_277 = arith.constant 0 : i32
        %dma_start3A_278 = tpu.memref_slice %arg10[%dma_start3A_275, %dma_start3A_276, %dma_start3A_277] : memref<4x128x32xf32, #tpu.memory_space<vmem>> -> memref<1x128x32xf32, #tpu.memory_space<vmem>>
        %dma_start3A_279 = tpu.memref_squeeze %dma_start3A_278 : memref<1x128x32xf32, #tpu.memory_space<vmem>> -> memref<128x32xf32, #tpu.memory_space<vmem>>
        %dma_start3A_280 = arith.constant 0 : i32
        %dma_start3A_281 = tpu.memref_slice %arg6[%dma_start3A_274, %dma_start3A_280] : memref<4x128xi32, #tpu.memory_space<vmem>> -> memref<1x128xi32, #tpu.memory_space<vmem>>
        %dma_start3A_282 = tpu.memref_squeeze %dma_start3A_281 : memref<1x128xi32, #tpu.memory_space<vmem>> -> memref<128xi32, #tpu.memory_space<vmem>>
        %dma_start3A_283 = arith.constant 0 : i32
        %dma_start3A_284 = arith.constant 0 : i32
        %dma_start3A_285 = tpu.memref_slice %arg3[%dma_start3A_283, %dma_start3A_284] : memref<1000000x32xf32, #tpu.memory_space<hbm>> -> memref<1000000x32xf32, #tpu.memory_space<hbm>>
        tpu.enqueue_indirect_dma source(%dma_start3A_285 : memref<1000000x32xf32, #tpu.memory_space<hbm>>) target(%dma_start3A_279 : memref<128x32xf32, #tpu.memory_space<vmem>>) offsets(%dma_start3A_282 : memref<128xi32, #tpu.memory_space<vmem>>) semaphore(%arg14 : memref<!tpu.dma_semaphore, #tpu.memory_space<semaphore_mem>>)
        %dma_start3A_286 = arith.constant 3 : i32
        %dma_start3A_287 = arith.constant 3 : i32
        %dma_start3A_288 = arith.constant 0 : i32
        %dma_start3A_289 = arith.constant 0 : i32
        %dma_start3A_290 = tpu.memref_slice %arg10[%dma_start3A_287, %dma_start3A_288, %dma_start3A_289] : memref<4x128x32xf32, #tpu.memory_space<vmem>> -> memref<1x128x32xf32, #tpu.memory_space<vmem>>
        %dma_start3A_291 = tpu.memref_squeeze %dma_start3A_290 : memref<1x128x32xf32, #tpu.memory_space<vmem>> -> memref<128x32xf32, #tpu.memory_space<vmem>>
        %dma_start3A_292 = arith.constant 0 : i32
        %dma_start3A_293 = tpu.memref_slice %arg6[%dma_start3A_286, %dma_start3A_292] : memref<4x128xi32, #tpu.memory_space<vmem>> -> memref<1x128xi32, #tpu.memory_space<vmem>>
        %dma_start3A_294 = tpu.memref_squeeze %dma_start3A_293 : memref<1x128xi32, #tpu.memory_space<vmem>> -> memref<128xi32, #tpu.memory_space<vmem>>
        %dma_start3A_295 = arith.constant 0 : i32
        %dma_start3A_296 = arith.constant 0 : i32
        %dma_start3A_297 = tpu.memref_slice %arg3[%dma_start3A_295, %dma_start3A_296] : memref<1000000x32xf32, #tpu.memory_space<hbm>> -> memref<1000000x32xf32, #tpu.memory_space<hbm>>
        tpu.enqueue_indirect_dma source(%dma_start3A_297 : memref<1000000x32xf32, #tpu.memory_space<hbm>>) target(%dma_start3A_291 : memref<128x32xf32, #tpu.memory_space<vmem>>) offsets(%dma_start3A_294 : memref<128xi32, #tpu.memory_space<vmem>>) semaphore(%arg14 : memref<!tpu.dma_semaphore, #tpu.memory_space<semaphore_mem>>)
      } else {
      }
      %dma_wait3A_226 = arith.constant 0 : i32
      %dma_wait3A_227 = arith.constant 0 : i32
      %dma_wait3A_228 = arith.constant 0 : i32
      %dma_wait3A_229 = tpu.memref_slice %arg4[%dma_wait3A_226, %dma_wait3A_227, %dma_wait3A_228] : memref<25600x128x32xf32, #tpu.memory_space<hbm>> -> memref<4x128x32xf32, #tpu.memory_space<hbm>>
      %dma_wait3A_230 = arith.constant 0 : i32
      %dma_wait3A_231 = arith.constant 0 : i32
      %dma_wait3A_232 = arith.constant 0 : i32
      %dma_wait3A_233 = tpu.memref_slice %arg4[%dma_wait3A_230, %dma_wait3A_231, %dma_wait3A_232] : memref<25600x128x32xf32, #tpu.memory_space<hbm>> -> memref<4x128x32xf32, #tpu.memory_space<hbm>>
      tpu.wait_dma2 semaphore(%arg16 : memref<!tpu.dma_semaphore, #tpu.memory_space<semaphore_mem>>) src(%dma_wait3A_233 : memref<4x128x32xf32, #tpu.memory_space<hbm>>) dst(%arg12 : memref<4x128x32xf32, #tpu.memory_space<vmem>>)
      %mul3A_234 = arith.constant 4 : i32
      %mul3A_235 = arith.muli %add3A_218, %mul3A_234 : i32
      %add3A_236 = arith.addi %mul3A_2, %mul3A_235 : i32
      %dma_start3A_237 = arith.constant 0 : i32
      %dma_start3A_238 = arith.constant 0 : i32
      %dma_start3A_239 = tpu.memref_slice %arg4[%add3A_236, %dma_start3A_237, %dma_start3A_238] : memref<25600x128x32xf32, #tpu.memory_space<hbm>> -> memref<4x128x32xf32, #tpu.memory_space<hbm>>
      %dma_start3A_240 = arith.constant 0 : i32
      %dma_start3A_241 = arith.constant 0 : i32
      %dma_start3A_242 = tpu.memref_slice %arg4[%add3A_236, %dma_start3A_240, %dma_start3A_241] : memref<25600x128x32xf32, #tpu.memory_space<hbm>> -> memref<4x128x32xf32, #tpu.memory_space<hbm>>
      tpu.enqueue_dma source(%arg12 : memref<4x128x32xf32, #tpu.memory_space<vmem>>) target(%dma_start3A_242 : memref<4x128x32xf32, #tpu.memory_space<hbm>>) target_semaphore(%arg20 : memref<!tpu.dma_semaphore, #tpu.memory_space<semaphore_mem>>)
    }
    %scan3A_105 = arith.constant 50 : i32
    %dma_wait3A = arith.constant 0 : i32
    %dma_wait3A_106 = arith.constant 0 : i32
    %dma_wait3A_107 = arith.constant 0 : i32
    %dma_wait3A_108 = tpu.memref_slice %arg4[%dma_wait3A, %dma_wait3A_106, %dma_wait3A_107] : memref<25600x128x32xf32, #tpu.memory_space<hbm>> -> memref<4x128x32xf32, #tpu.memory_space<hbm>>
    %dma_wait3A_109 = arith.constant 0 : i32
    %dma_wait3A_110 = arith.constant 0 : i32
    %dma_wait3A_111 = arith.constant 0 : i32
    %dma_wait3A_112 = tpu.memref_slice %arg4[%dma_wait3A_109, %dma_wait3A_110, %dma_wait3A_111] : memref<25600x128x32xf32, #tpu.memory_space<hbm>> -> memref<4x128x32xf32, #tpu.memory_space<hbm>>
    tpu.wait_dma2 semaphore(%arg17 : memref<!tpu.dma_semaphore, #tpu.memory_space<semaphore_mem>>) src(%dma_wait3A_112 : memref<4x128x32xf32, #tpu.memory_space<hbm>>) dst(%arg9 : memref<4x128x32xf32, #tpu.memory_space<vmem>>)
    %dma_wait3A_113 = arith.constant 0 : i32
    %dma_wait3A_114 = arith.constant 0 : i32
    %dma_wait3A_115 = arith.constant 0 : i32
    %dma_wait3A_116 = tpu.memref_slice %arg4[%dma_wait3A_113, %dma_wait3A_114, %dma_wait3A_115] : memref<25600x128x32xf32, #tpu.memory_space<hbm>> -> memref<4x128x32xf32, #tpu.memory_space<hbm>>
    %dma_wait3A_117 = arith.constant 0 : i32
    %dma_wait3A_118 = arith.constant 0 : i32
    %dma_wait3A_119 = arith.constant 0 : i32
    %dma_wait3A_120 = tpu.memref_slice %arg4[%dma_wait3A_117, %dma_wait3A_118, %dma_wait3A_119] : memref<25600x128x32xf32, #tpu.memory_space<hbm>> -> memref<4x128x32xf32, #tpu.memory_space<hbm>>
    tpu.wait_dma2 semaphore(%arg18 : memref<!tpu.dma_semaphore, #tpu.memory_space<semaphore_mem>>) src(%dma_wait3A_120 : memref<4x128x32xf32, #tpu.memory_space<hbm>>) dst(%arg10 : memref<4x128x32xf32, #tpu.memory_space<vmem>>)
    %dma_wait3A_121 = arith.constant 0 : i32
    %dma_wait3A_122 = arith.constant 0 : i32
    %dma_wait3A_123 = arith.constant 0 : i32
    %dma_wait3A_124 = tpu.memref_slice %arg4[%dma_wait3A_121, %dma_wait3A_122, %dma_wait3A_123] : memref<25600x128x32xf32, #tpu.memory_space<hbm>> -> memref<4x128x32xf32, #tpu.memory_space<hbm>>
    %dma_wait3A_125 = arith.constant 0 : i32
    %dma_wait3A_126 = arith.constant 0 : i32
    %dma_wait3A_127 = arith.constant 0 : i32
    %dma_wait3A_128 = tpu.memref_slice %arg4[%dma_wait3A_125, %dma_wait3A_126, %dma_wait3A_127] : memref<25600x128x32xf32, #tpu.memory_space<hbm>> -> memref<4x128x32xf32, #tpu.memory_space<hbm>>
    tpu.wait_dma2 semaphore(%arg19 : memref<!tpu.dma_semaphore, #tpu.memory_space<semaphore_mem>>) src(%dma_wait3A_128 : memref<4x128x32xf32, #tpu.memory_space<hbm>>) dst(%arg11 : memref<4x128x32xf32, #tpu.memory_space<vmem>>)
    %dma_wait3A_129 = arith.constant 0 : i32
    %dma_wait3A_130 = arith.constant 0 : i32
    %dma_wait3A_131 = arith.constant 0 : i32
    %dma_wait3A_132 = tpu.memref_slice %arg4[%dma_wait3A_129, %dma_wait3A_130, %dma_wait3A_131] : memref<25600x128x32xf32, #tpu.memory_space<hbm>> -> memref<4x128x32xf32, #tpu.memory_space<hbm>>
    %dma_wait3A_133 = arith.constant 0 : i32
    %dma_wait3A_134 = arith.constant 0 : i32
    %dma_wait3A_135 = arith.constant 0 : i32
    %dma_wait3A_136 = tpu.memref_slice %arg4[%dma_wait3A_133, %dma_wait3A_134, %dma_wait3A_135] : memref<25600x128x32xf32, #tpu.memory_space<hbm>> -> memref<4x128x32xf32, #tpu.memory_space<hbm>>
    tpu.wait_dma2 semaphore(%arg20 : memref<!tpu.dma_semaphore, #tpu.memory_space<semaphore_mem>>) src(%dma_wait3A_136 : memref<4x128x32xf32, #tpu.memory_space<hbm>>) dst(%arg12 : memref<4x128x32xf32, #tpu.memory_space<vmem>>)
    return
  }
}

module attributes {stable_mosaic.version = 14 : i64} {
  func.func @tc_body(%arg0: i32, %arg1: memref<6400x128xf32, #tpu.memory_space<vmem>>, %arg2: memref<200x4x1x8x128xf32, #tpu.memory_space<vmem>>) attributes {dimension_semantics = [#tpu.dimension_semantics<arbitrary>], iteration_bounds = array<i64: 128>, scalar_prefetch = 0 : i64, scratch_operands = 0 : i64, tpu.core_type = #tpu.core_type<tc>, window_params = [{transform_indices = @transform_0, window_bounds = array<i64: 6400, 128>}, {transform_indices = @transform_1, window_bounds = array<i64: 200, 4, 1, 8, 128>}]} {
    %get3A = arith.constant 0 : index
    %get3A_0 = arith.constant 0 : index
    %get3A_1 = vector.load %arg1[%get3A, %get3A_0] : memref<6400x128xf32, #tpu.memory_space<vmem>>, vector<6400x128xf32>
    %reshape3A = vector.shape_cast %get3A_1 : vector<6400x128xf32> to vector<128x6400xf32>
    %transpose3A = tpu.transpose %reshape3A, [1, 0] : vector<128x6400xf32> -> vector<6400x128xf32>
    %reshape3A_2 = vector.shape_cast %transpose3A : vector<6400x128xf32> to vector<200x4x1x8x128xf32>
    %swap3A = arith.constant 0 : index
    %swap3A_3 = arith.constant 0 : index
    %swap3A_4 = arith.constant 0 : index
    %swap3A_5 = arith.constant 0 : index
    %swap3A_6 = arith.constant 0 : index
    %swap3A_7 = vector.load %arg2[%swap3A, %swap3A_3, %swap3A_4, %swap3A_5, %swap3A_6] : memref<200x4x1x8x128xf32, #tpu.memory_space<vmem>>, vector<200x4x1x8x128xf32>
    tpu.vector_store %arg2[%swap3A, %swap3A_3, %swap3A_4, %swap3A_5, %swap3A_6], %reshape3A_2 {strides = array<i32>} : memref<200x4x1x8x128xf32, #tpu.memory_space<vmem>>, vector<200x4x1x8x128xf32>,
    return
  }
  func.func @transform_0(%arg0: i32) -> (i32, i32) {
    %c0_i32 = arith.constant 0 : i32
    %c0_i32_0 = arith.constant 0 : i32
    return %arg0, %c0_i32 : i32, i32
  }
  func.func @transform_1(%arg0: i32) -> (i32, i32, i32, i32, i32) {
    %c0_i32 = arith.constant 0 : i32
    %c0_i32_0 = arith.constant 0 : i32
    %c0_i32_1 = arith.constant 0 : i32
    %c0_i32_2 = arith.constant 0 : i32
    %c0_i32_3 = arith.constant 0 : i32
    return %c0_i32, %c0_i32_0, %arg0, %c0_i32_1, %c0_i32_2 : i32, i32, i32, i32, i32
  }
}

</mosaic_0001>

<sc_bundles>
// kernel: kernel.4.cloned.1.call-start
scs
__scs_entry_jumppad:
0x0: {  	(pc) =	sbr.rel $0x88, $3  }
0x1: {  	(tag) =	ssettag $0x0;
	lr =	simm.s32 $0x1  }
0x2: {  	[smem:$0x3F9F] =	sst lr;
	_ =	strace $0xD0000000  }
0x3: {  	_ = 	snop  }
0x4: {  	_ = 	snop  }
0x5: {  	_ = 	snop  }
0x6: {  	_ = 	snop  }
0x7: {  	_ = 	snop  }
__scs_overlays_trampoline_lowered:
0x8: {  	[smem:$0x3FAE] =	sst s0  }
0x9: {  	[smem:$0x3FAF] =	sst s1  }
0xa: {  	[smem:$0x3FB0] =	sst s2  }
0xb: {  	[smem:$0x3FB1] =	sst s3  }
0xc: {  	[smem:$0x3FB2] =	sst s4  }
0xd: {  	[smem:$0x3FB3] =	sst s5  }
0xe: {  	[smem:$0x3FB4] =	sst s6  }
0xf: {  	[smem:$0x3FB5] =	sst s7  }
0x10: {  	[smem:$0x3FB6] =	sst s8  }
0x11: {  	[smem:$0x3FB7] =	sst s9;
	s0 =	simm.s32 @!p0 $0x0  }
0x12: {  	s1 =	sld [smem:$0x3F9D];
	s0 =	simm.s32 @p0 $0x1  }
0x13: {  	[smem:$0x3FB8] =	sst s0;
	s0 =	simm.s32 @!p1 $0x0  }
0x14: {  	s2 =	sld [smem:$0x3F9C];
	s0 =	simm.s32 @p1 $0x1  }
0x15: {  	[smem:$0x3FB9] =	sst s0;
	s0 =	simm.s32 @!p2 $0x0  }
0x16: {  	s3 =	sld [smem:$0x3FDB];
	s0 =	simm.s32 @p2 $0x1  }
0x17: {  	s4 =	simm.s32 $0x1BF5;
	[smem:$0x3FBB] =	sst s0  }
0x18: {  	s0 =	sld [smem:$0x3F9E];
	_ =	swait.ge [sflag:s4], $0x0  }
0x19: {  	s7 =	sld [smem:$0x3F9F]  }
0x1a: {  	s8 =	sadd.s32 $0xFFFFE003, lr  }
0x1b: {  	s9 =	sadd.s32 $0xFFFFFEF7, lr;
	s5 =	simm.s32 $0xFFFFFFFF;
	p2 =	slt.u32 s8, $0xFFFFF086  }
0x1c: {  	p1 =	slt.u32 s9, $0xF7A;
	s5 =	simm.s32 @!p2 $0x0  }
0x1d: {  	s5 =	simm.s32 @p1 $0x1;
	p0 =	seq.s32 s7, s2  }
0x1e: {  	s7 =	smul.u32 @!p0 $0xF7A, s2;
	p2 =	seq.s32 @!p0 s5, $0x0  }
0x1f: {  	s9 =	smul.u32 $0xF7A, s1;
	s8 =	simm.s32 @!p0 $0x1BF5;
	p2 =	por !p2, p0  }
0x20: {  	[sflag:s8] =	ssyncset.s32 @!p0 $0xFFFFF086;
	s6 =	sadd.s32 @!p0 s3, s7;
	s7 =	simm.s32 @!p0 $0x108  }
0x21: {  	s3 =	sadd.s32 s3, s9;
	s6 =	sadd.s32 @!p0 $0x88, s6;
	s7 =	simm.s32 @p2 $0x1082  }
0x22: {  	[simem:s7], [sflag:s8] =	dma.local @!p0 [hbm:s6], $0xF7A  }
0x23: {  	s9 =	sor.u32 $0xD0000000, s2;
	s6 =	simm.s32 $0x108;
	_ =	swait.ge @!p0 [sflag:s8], $0x0  }
0x24: {  	s3 =	sadd.s32 $0x88, s3;
	s6 =	simm.s32 @!p1 $0x1082;
	[sflag:s4] =	ssyncset.s32 $0xFFFFF086  }
0x25: {  	[simem:s6], [sflag:s4] =	dma.local [hbm:s3], $0xF7A  }
0x26: {  	[smem:$0x3F9F] =	sst s1;
	(tag) =	ssettag s2;
	_ =	strace s9  }
0x27: {  	s1 =	sld [smem:$0x3FAF]  }
0x28: {  	s2 =	sld [smem:$0x3FB0]  }
0x29: {  	s4 =	sld [smem:$0x3FB2]  }
0x2a: {  	p0 =	seq.s32 s5, $0x0;
	s5 =	sld [smem:$0x3FB3]  }
0x2b: {  	s6 =	sld [smem:$0x3FB4]  }
0x2c: {  	s7 =	sld [smem:$0x3FB5]  }
0x2d: {  	s3 =	simm.s32 $0x108;
	s8 =	sld [smem:$0x3FB6]  }
0x2e: {  	s3 =	simm.s32 @!p0 $0x1082;
	s9 =	sld [smem:$0x3FB7]  }
0x2f: {  	lr =	sadd.s32 s0, s3;
	s0 =	sld [smem:$0x3FAE]  }
0x30: {  	s3 =	sld [smem:$0x3FB1]  }
0x31: {  	[smem:$0x3FBA] =	sst s10  }
0x32: {  	s10 =	sld [smem:$0x3FB8];
	_ =	sdelay $0x3  }
0x33: {  	p0 =	seq.s32 s10, $0x1;
	s10 =	sld [smem:$0x3FBA];
	_ =	sdelay $0x3  }
0x34: {  	[smem:$0x3FBA] =	sst s10  }
0x35: {  	s10 =	sld [smem:$0x3FB9];
	_ =	sdelay $0x3  }
0x36: {  	p1 =	seq.s32 s10, $0x1;
	s10 =	sld [smem:$0x3FBA];
	_ =	sdelay $0x3  }
0x37: {  	[smem:$0x3FBA] =	sst s10  }
0x38: {  	s10 =	sld [smem:$0x3FBB]  }
0x39: {  	_ = 	snop;
	(pc) =	sbr.ind lr, $3  }
0x3a: {  	_ = 	snop  }
0x3b: {  	_ = 	snop  }
0x3c: {  	p2 =	seq.s32 s10, $0x1;
	s10 =	sld [smem:$0x3FBA]  }
0x3d: {  	_ =	shalt  }
0x3e: {  	_ =	shalt  }
0x3f: {  	_ =	shalt  }
0x40: {  	_ =	shalt  }
0x41: {  	_ =	shalt  }
0x42: {  	_ =	shalt  }
0x43: {  	_ =	shalt  }
0x44: {  	_ =	shalt  }
0x45: {  	_ =	shalt  }
0x46: {  	_ =	shalt  }
0x47: {  	_ =	shalt  }
0x48: {  	_ =	shalt  }
0x49: {  	_ =	shalt  }
0x4a: {  	_ =	shalt  }
0x4b: {  	_ =	shalt  }
0x4c: {  	_ =	shalt  }
0x4d: {  	_ =	shalt  }
0x4e: {  	_ =	shalt  }
0x4f: {  	_ =	shalt  }
0x50: {  	_ =	shalt  }
0x51: {  	_ =	shalt  }
0x52: {  	_ =	shalt  }
0x53: {  	_ =	shalt  }
0x54: {  	_ =	shalt  }
0x55: {  	_ =	shalt  }
0x56: {  	_ =	shalt  }
0x57: {  	_ =	shalt  }
0x58: {  	_ =	shalt  }
0x59: {  	_ =	shalt  }
0x5a: {  	_ =	shalt  }
0x5b: {  	_ =	shalt  }
0x5c: {  	_ =	shalt  }
0x5d: {  	_ =	shalt  }
0x5e: {  	_ =	shalt  }
0x5f: {  	_ =	shalt  }
0x60: {  	_ =	shalt  }
0x61: {  	_ =	shalt  }
0x62: {  	_ =	shalt  }
0x63: {  	_ =	shalt  }
0x64: {  	_ =	shalt  }
0x65: {  	_ =	shalt  }
0x66: {  	_ =	shalt  }
0x67: {  	_ =	shalt  }
0x68: {  	_ =	shalt  }
0x69: {  	_ =	shalt  }
0x6a: {  	_ =	shalt  }
0x6b: {  	_ =	shalt  }
0x6c: {  	_ =	shalt  }
0x6d: {  	_ =	shalt  }
0x6e: {  	_ =	shalt  }
0x6f: {  	_ =	shalt  }
0x70: {  	_ =	shalt  }
0x71: {  	_ =	shalt  }
0x72: {  	_ =	shalt  }
0x73: {  	_ =	shalt  }
0x74: {  	_ =	shalt  }
0x75: {  	_ =	shalt  }
0x76: {  	_ =	shalt  }
0x77: {  	_ =	shalt  }
0x78: {  	_ =	shalt  }
0x79: {  	_ =	shalt  }
0x7a: {  	_ =	shalt  }
0x7b: {  	_ =	shalt  }
0x7c: {  	_ =	shalt  }
0x7d: {  	_ =	shalt  }
0x7e: {  	_ =	shalt  }
0x7f: {  	_ =	shalt  }
0x80: {  	_ =	shalt  }
0x81: {  	_ =	shalt  }
0x82: {  	_ =	shalt  }
0x83: {  	_ =	shalt  }
0x84: {  	_ =	shalt  }
0x85: {  	_ =	shalt  }
0x86: {  	_ =	shalt  }
0x87: {  	_ =	shalt  }
.Lfunc_end0:
.L_simem_size_0:
called_computation_lowered:
.L_overlay_start_0:
0x88: {  	s2 =	sld [smem:$0x3FD9]  }
0x89: {  	s3 =	sld [smem:$0x3FFE];
	_ =	sdelay $0x1  }
0x8a: {  	s1 =	srdreg.scid  }
0x8b: {  	s0 =	sand.u32 $0x1, s1  }
0x8c: {  	s17 =	sshll.u32 s0, $0xA;
	s2 =	sadd.s32 s3, s2  }
0x8d: {  	s2 =	sadd.s32 s2, s17  }
0x8e: {  	[smem:$0x3FC6] =	sst s2  }
0x8f: {  	_ = 	snop  }
0x90: {  	s2 =	sld [smem:$0x3FD0];
	(tm) =	ssettm $0x1  }
0x91: {  	s18 =	sld [smem:$0x3FFB];
	_ =	sdelay $0x3  }
0x92: {  	_ =	strace s18  }
0x93: {  	s3 =	sld [smem:$0x3FFC];
	_ =	sdelay $0x3  }
0x94: {  	_ =	strace s3  }
0x95: {  	s3 =	sld [smem:$0x3FFD];
	_ =	sdelay $0x3  }
0x96: {  	_ =	strace s3  }
0x97: {  	_ =	strace $0x8FFFFFFF  }
0x98: {  	s19 =	sld [smem:$0x3FDB];
	_ =	sdelay $0x1  }
0x99: {  	s4 =	simm.s32 $_scs_section_size  }
0x9a: {  	s5 =	simm.s32 $_size__tile_overlayer_lowered;
	s6 =	simm.s32 $_tile_overlayer_lowered  }
0x9b: {  	s22 =	simm.s32 $0x1BFF;
	s21 =	sshll.u32 s6, $0x1;
	s3 =	sadd.s32 s4, s19  }
0x9c: {  	s7 =	simm.s32 $0x0;
	s20 =	sshll.u32 s5, $0x1;
	s5 =	sadd.s32 s21, s3  }
0x9d: {  	[timem:s7], [sflag:s22] =	dma.local [hbm:s5], s20  }
0x9e: {  	_ =	swait.ge [sflag:s22], s20  }
0x9f: {  	s4 =	ssub.s32 $0x0, s20;
	[sflag:s22] =	ssyncset.done $0x0  }
0xa0: {  	[sflag:s22] =	ssyncadd.s32 s4;
	_ =	sdelay $0x1  }
0xa1: {  	s23 =	simm.s32 $0x1B8B  }
0xa2: {  	_ =	swait.ge [sflag:s23], $0x1  }
0xa3: {  	[sflag:s23] =	ssyncset.done $0x0  }
0xa4: {  	s25 =	simm.s32 $0x1B8E;
	s24 =	sld [smem:$0x3FFE];
	[sflag:s23] =	ssyncadd.s32 $0xFFFFFFFF  }
0xa5: {  	s26 =	simm.s32 $execute0_lowered;
	[smem:$0x3FD2] =	sst s25  }
0xa6: {  	s5 =	sshll.u32 s26, $0x1;
	_ =	strace $0x80000046;
	[dreg:$0x1] =	wrdreg $0xFFFFFFFF  }
0xa7: {  	s28 =	simm.s32 $_size_execute0_lowered;
	s3 =	sadd.s32 s3, s5;
	[dreg:$0x0] =	wrdreg $0x0  }
0xa8: {  	s5 =	sshll.u32 s28, $0x1;
	[dreg:$0x2] =	wrdreg s3  }
0xa9: {  	[dreg:$0x3] =	wrdreg s5  }
0xaa: {  	[dreg:$0x4] =	wrdreg $0xC0  }
0xab: {  	_ =	task [dreg:s7], $0x5FFFF  }
0xac: {  	[dreg:$0x1] =	wrdreg $0xFFFFFFFF  }
0xad: {  	[dreg:$0x0] =	wrdreg $0x60  }
0xae: {  	[dreg:$0x2] =	wrdreg s24  }
0xaf: {  	[dreg:$0x3] =	wrdreg s2  }
0xb0: {  	[dreg:$0x4] =	wrdreg $0x9  }
0xb1: {  	_ =	task.clear_ibuf [dreg:s7], $0x5FFFF;
	_ =	strace $0x90000046  }
0xb2: {  	s29 =	simm.s32 $0x9;
	_ =	strace $0x80000048  }
0xb3: {  	_ =	swait.ge [sflag:s29], $0x1  }
0xb4: {  	[sflag:s29] =	ssyncadd.s32 $0xFFFFFFFF  }
0xb5: {  	_ =	strace $0x90000048  }
0xb6: {  	_ =	sfence  }
0xb7: {  	s30 =	sld [smem:$0x0];
	_ =	sdelay $0x2  }
0xb8: {  	s31 =	sshll.u32 s1, $0xD;
	s1 =	sshrl.u32 s1, $0x2  }
0xb9: {  	s3 =	sand.u32 $0x4000, s31;
	s1 =	sadd.s32 s1, s30  }
0xba: {  	s0 =	sor.u32 s3, s0;
	s1 =	sshll.u32 s1, $0x11  }
0xbb: {  	s0 =	sor.u32 s1, s0  }
0xbc: {  	s0 =	sadd.s32 $0x8F2B, s0  }
0xbd: {  	[sflag:s0] =	ssyncadd.remote.s32 $0x1  }
0xbe: {  	_ =	sfence.sel $0xFFFF  }
0xbf: {  	[dreg:$0x0] =	wrdreg $0xFFFFFFFF;
	(pc) =	sbr.abs _section_cstart, $3  }
0xc0: {  	[dreg:$0x1] =	wrdreg $0xFFFFFFFF  }
0xc1: {  	_ =	task.clear_ibuf [dreg:s7], $0x2FFFF;
	_ =	strace $0x9FFFFFFF  }
0xc2: {  	(tm) =	ssettm $0x7FFFFFFF  }
0xc3: {  	_ =	shalt  }
tec
execute0_lowered:
.L_overlay_start_1:
0x0: {  	(tag) =	ssettag $0x1  }
0x1: {  	s0 =	srdreg.scid;
	s1 =	rddreg [dreg:$0x0]  }
0x2: {  	s10 =	stileid.u32;
	s2 =	rddreg [dreg:$0x1];
	s15 =	simm.s32 $0x480  }
0x3: {  	s16 =	simm.s32 $0x9800;
	s17 =	simm.s32 $0x500;
	s5 =	smul.u32 $0x32000, s10  }
0x4: {  	s28 =	simm.s32 $0x400;
	s29 =	simm.s32 $0x8800;
	s22 =	smul.u32 $0xC8000, s10  }
0x5: {  	s30 =	simm.s32 $0x1;
	s0 =	sand.u32 $0x1, s0;
	s23 =	smul.u32 $0x640000, s10  }
0x6: {  	s31 =	simm.s32 $0x600;
	s3 =	sshll.u32 s10, $0x1;
	s7 =	smul.u32 $0x19000, s0  }
0x7: {  	s9 =	sadd.s32 $0x400, s1;
	s4 =	sor.u32 s0, s3;
	s25 =	smul.u32 $0x320000, s0  }
0x8: {  	s3 =	simm.s32 $0x0;
	s6 =	ssub.s32 $0x2, s0;
	s0 =	smul.u32 $0x64000, s0  }
0x9: {  	s1 =	sadd.s32 $0x64400, s1;
	s4 =	smul.u32 $0x3200, s4;
	[smem:$0x7FF] =	sst s3  }
0xa: {  	s8 =	sshrl.u32 s6, $0x1;
	_ =	strace $0x80000047;
	[dreg:$0x7] =	wrdreg s15  }
0xb: {  	s6 =	ssub.s32 s6, s8;
	s19 =	sadd.s32 s7, s5;
	[dreg:$0x8] =	wrdreg s16  }
0xc: {  	s7 =	sadd.s32 s22, s1;
	[dreg:$0x9] =	wrdreg s17;
	s22 =	simm.s32 $0xD800  }
0xd: {  	s15 =	simm.s32 $0x4;
	s18 =	sadd.s32 s9, s4;
	s21 =	sor.u32 $0xA00, s19  }
0xe: {  	s6 =	smax.u32 s6, $0x1;
	s24 =	sor.u32 $0x800, s19;
	[dreg:$0xe] =	wrdreg s22  }
0xf: {  	s0 =	sadd.s32 s0, s7;
	s11 =	sor.u32 $0x600, s19;
	[dreg:$0x13] =	wrdreg s18  }
0x10: {  	s4 =	sor.u32 $0x400, s19;
	s19 =	simm.s32 $0x580;
	[dreg:$0x15] =	wrdreg s6  }
0x11: {  	s22 =	simm.s32 $0x0;
	s20 =	sadd.s32 $0x40, s18;
	[dreg:$0xb] =	wrdreg s19  }
0x12: {  	s5 =	sshrl.u32 s21, $0x3;
	s0 =	sadd.s32 $0x800, s0;
	[dreg:$0x14] =	wrdreg s20  }
0x13: {  	s26 =	sshrl.u32 s24, $0x3;
	s18 =	simm.s32 $0xA800;
	[dreg:$0x16] =	wrdreg s0  }
0x14: {  	s6 =	sadd.s32 s25, s23;
	s21 =	simm.s32 $0x680;
	[dreg:$0xa] =	wrdreg s18  }
0x15: {  	s4 =	sshrl.u32 s4, $0x3;
	s23 =	simm.s32 $0x700;
	[dreg:$0xd] =	wrdreg s21  }
0x16: {  	s24 =	simm.s32 $0xE800;
	s25 =	simm.s32 $0x780;
	[dreg:$0xf] =	wrdreg s23  }
0x17: {  	s5 =	sadd.s32 s5, s9;
	s7 =	sor.u32 $0xC000, s6;
	[dreg:$0x10] =	wrdreg s24  }
0x18: {  	s8 =	sshrl.u32 s6, $0x3;
	s12 =	sor.u32 $0x8000, s6;
	[dreg:$0x11] =	wrdreg s25  }
0x19: {  	s14 =	sadd.s32 s4, s9;
	s20 =	simm.s32 $0xB800;
	[dreg:$0x3] =	wrdreg s5  }
0x1a: {  	s5 =	sadd.s32 s26, s9;
	s0 =	sadd.s32 s8, s1;
	[dreg:$0x6] =	wrdreg s14  }
0x1b: {  	[dreg:$0xc] =	wrdreg s20;
	s20 =	simm.s32 $0x4800;
	s26 =	simm.s32 $0xF800  }
0x1c: {  	s14 =	simm.s32 $0x3;
	[dreg:$0x4] =	wrdreg s5;
	s5 =	sshrl.u32 s7, $0x3  }
0x1d: {  	[dreg:$0x17] =	wrdreg s0;
	s0 =	sshrl.u32 s11, $0x3;
	s11 =	simm.s32 $0x9  }
0x1e: {  	[dreg:$0x12] =	wrdreg s26;
	s10 =	sadd.s32 s5, s1;
	s0 =	sadd.s32 s0, s9  }
0x1f: {  	s5 =	sshrl.u32 s12, $0x3;
	s12 =	simm.s32 $0x80;
	[dreg:$0x18] =	wrdreg s10  }
0x20: {  	[dreg:$0x5] =	wrdreg s0;
	s13 =	sadd.s32 s5, s1;
	s1 =	simm.s32 $0xC800  }
0x21: {  	s0 =	simm.s32 $0x2;
	[dreg:$0x19] =	wrdreg s13;
	s13 =	simm.s32 $0x800  }
.LBB2_1:
0x22: {  	s4 =	rddreg [dreg:$0x13]  }
0x23: {  	[tilespmem:s3], [sflag:$0x9] =	stream.linear.gather [hbm4b:s4+s3], $0x200, $0x38;
	[tilespmem:$0x10800] =	vst v63  }
0x24: {  	_ =	swait.ge [sflag:s11], $0x200  }
0x25: {  	[sflag:s11] =	ssyncset.done $0x0  }
0x26: {  	[sflag:s11] =	ssyncadd.s32 $0xFFFFFE00  }
0x27: {  	[tilespmem:s13], [sflag:$0x1] =	stream.indirect.gather [hbm4b:s2+s12], $0x20, s3, s12, $0xb8;
	[tilespmem:$0x10800] =	vst v63  }
0x28: {  	s7 =	simm.s32 $0x1800  }
0x29: {  	[tilespmem:s7], [sflag:$0x1] =	stream.indirect.gather [hbm4b:s2+s12], $0x20, s12, s12, $0xb8;
	[tilespmem:$0x10800] =	vst v63  }
0x2a: {  	s8 =	simm.s32 $0x100;
	s5 =	simm.s32 $0x2800  }
0x2b: {  	[tilespmem:s5], [sflag:$0x1] =	stream.indirect.gather [hbm4b:s2+s12], $0x20, s8, s12, $0xb8;
	[tilespmem:$0x10800] =	vst v63  }
0x2c: {  	s9 =	simm.s32 $0x180;
	s10 =	simm.s32 $0x3800  }
0x2d: {  	[tilespmem:s10], [sflag:$0x1] =	stream.indirect.gather [hbm4b:s2+s12], $0x20, s9, s12, $0xb8;
	[tilespmem:$0x10800] =	vst v63  }
0x2e: {  	s17 =	simm.s32 $0x200;
	s16 =	rddreg [dreg:$0x14]  }
0x2f: {  	[tilespmem:s17], [sflag:$0x9] =	stream.linear.gather [hbm4b:s16+s3], $0x200, $0x38;
	[tilespmem:$0x10800] =	vst v63  }
0x30: {  	_ =	swait.ge [sflag:s11], $0x200  }
0x31: {  	[sflag:s11] =	ssyncset.done $0x0  }
0x32: {  	[sflag:s11] =	ssyncadd.s32 $0xFFFFFE00  }
0x33: {  	[tilespmem:s20], [sflag:$0x2] =	stream.indirect.gather [hbm4b:s2+s12], $0x20, s17, s12, $0xb8;
	[tilespmem:$0x10800] =	vst v63  }
0x34: {  	s18 =	simm.s32 $0x280;
	s19 =	simm.s32 $0x5800  }
0x35: {  	[tilespmem:s19], [sflag:$0x2] =	stream.indirect.gather [hbm4b:s2+s12], $0x20, s18, s12, $0xb8;
	[tilespmem:$0x10800] =	vst v63  }
0x36: {  	s21 =	simm.s32 $0x300;
	s23 =	simm.s32 $0x6800;
	p0 =	por $0x1, $0x1  }
0x37: {  	[tilespmem:s23], [sflag:$0x2] =	stream.indirect.gather [hbm4b:s2+s12], $0x20, s21, s12, $0xb8;
	[tilespmem:$0x10800] =	vst v63  }
0x38: {  	s24 =	simm.s32 $0x380;
	s25 =	simm.s32 $0x7800;
	s4 =	simm.s32 @!p0 $0x7  }
0x39: {  	[tilespmem:s25], [sflag:$0x2] =	stream.indirect.gather [hbm4b:s2+s12], $0x20, s24, s12, $0xb8;
	[tilespmem:$0x10800] =	vst v63  }
0x3a: {  	_ =	swait.ge @!p0 [sflag:s4], $0x4000  }
0x3b: {  	s26 =	rddreg [dreg:$0x6];
	[sflag:s4] =	ssyncset.done @!p0 $0x0  }
0x3c: {  	[sflag:s4] =	ssyncadd.s32 @!p0 $0xFFFFC000;
	s6 =	sadd.s32 $0x0, s26  }
0x3d: {  	[tilespmem:s28], [sflag:$0x9] =	stream.linear.gather [hbm4b:s6+s3], $0x200, $0x38;
	[tilespmem:$0x10800] =	vst v63  }
0x3e: {  	_ =	swait.ge [sflag:s11], $0x200  }
0x3f: {  	s7 =	rddreg [dreg:$0x9]  }
0x40: {  	s8 =	rddreg [dreg:$0x7];
	[sflag:s11] =	ssyncset.done $0x0  }
0x41: {  	s6 =	rddreg [dreg:$0x8];
	[sflag:s11] =	ssyncadd.s32 $0xFFFFFE00  }
0x42: {  	[tilespmem:s29], [sflag:$0x3] =	stream.indirect.gather [hbm4b:s2+s12], $0x20, s28, s12, $0xb8;
	[tilespmem:$0x10800] =	vst v63  }
0x43: {  	s9 =	rddreg [dreg:$0xa]  }
0x44: {  	[tilespmem:s6], [sflag:$0x3] =	stream.indirect.gather [hbm4b:s2+s12], $0x20, s8, s12, $0xb8;
	[tilespmem:$0x10800] =	vst v63  }
0x45: {  	s16 =	rddreg [dreg:$0xb]  }
0x46: {  	[tilespmem:s9], [sflag:$0x3] =	stream.indirect.gather [hbm4b:s2+s12], $0x20, s7, s12, $0xb8;
	[tilespmem:$0x10800] =	vst v63  }
0x47: {  	s10 =	rddreg [dreg:$0xc]  }
0x48: {  	[tilespmem:s10], [sflag:$0x3] =	stream.indirect.gather [hbm4b:s2+s12], $0x20, s16, s12, $0xb8;
	[tilespmem:$0x10800] =	vst v63  }
0x49: {  	_ =	swait.ge [sflag:s30], $0x4000  }
0x4a: {  	[sflag:s30] =	ssyncset.done $0x0  }
0x4b: {  	s4 =	simm.s32 @!p0 $0x8;
	s8 =	rddreg [dreg:$0x17];
	[sflag:s30] =	ssyncadd.s32 $0xFFFFC000  }
0x4c: {  	[hbm4b:s8+s3] =	stream.linear.scatter [tilespmem:s13], [sflag:$0x5], $0x4000, $0x38;
	[tilespmem:$0x10800] =	vst v63  }
0x4d: {  	_ =	swait.ge @!p0 [sflag:s4], $0x4000  }
0x4e: {  	s17 =	rddreg [dreg:$0x5];
	[sflag:s4] =	ssyncset.done @!p0 $0x0  }
0x4f: {  	[sflag:s4] =	ssyncadd.s32 @!p0 $0xFFFFC000;
	s18 =	sadd.s32 $0x0, s17  }
0x50: {  	[tilespmem:s31], [sflag:$0x9] =	stream.linear.gather [hbm4b:s18+s3], $0x200, $0x38;
	[tilespmem:$0x10800] =	vst v63  }
0x51: {  	_ =	swait.ge [sflag:s11], $0x200  }
0x52: {  	s19 =	rddreg [dreg:$0xd]  }
0x53: {  	[sflag:s11] =	ssyncset.done $0x0;
	s21 =	rddreg [dreg:$0xf]  }
0x54: {  	s23 =	rddreg [dreg:$0xe];
	[sflag:s11] =	ssyncadd.s32 $0xFFFFFE00  }
0x55: {  	[tilespmem:s1], [sflag:$0x4] =	stream.indirect.gather [hbm4b:s2+s12], $0x20, s31, s12, $0xb8;
	[tilespmem:$0x10800] =	vst v63  }
0x56: {  	s24 =	rddreg [dreg:$0x10]  }
0x57: {  	[tilespmem:s23], [sflag:$0x4] =	stream.indirect.gather [hbm4b:s2+s12], $0x20, s19, s12, $0xb8;
	[tilespmem:$0x10800] =	vst v63  }
0x58: {  	s25 =	rddreg [dreg:$0x11]  }
0x59: {  	[tilespmem:s24], [sflag:$0x4] =	stream.indirect.gather [hbm4b:s2+s12], $0x20, s21, s12, $0xb8;
	[tilespmem:$0x10800] =	vst v63  }
0x5a: {  	s26 =	rddreg [dreg:$0x12]  }
0x5b: {  	[tilespmem:s26], [sflag:$0x4] =	stream.indirect.gather [hbm4b:s2+s12], $0x20, s25, s12, $0xb8;
	[tilespmem:$0x10800] =	vst v63  }
0x5c: {  	_ =	swait.ge [sflag:s0], $0x4000  }
0x5d: {  	p1 =	por $0x0, $0x0;
	[sflag:s0] =	ssyncset.done $0x0  }
0x5e: {  	s4 =	simm.s32 @!p1 $0x5;
	s7 =	rddreg [dreg:$0x16];
	[sflag:s0] =	ssyncadd.s32 $0xFFFFC000  }
0x5f: {  	[hbm4b:s7+s3] =	stream.linear.scatter [tilespmem:s20], [sflag:$0x6], $0x4000, $0x38;
	[tilespmem:$0x10800] =	vst v63  }
0x60: {  	_ =	swait.ge @!p1 [sflag:s4], $0x4000  }
0x61: {  	s6 =	simm.s32 @!p1 $0x9;
	s5 =	rddreg [dreg:$0x4];
	[sflag:s4] =	ssyncset.done @!p1 $0x0  }
0x62: {  	[sflag:s4] =	ssyncadd.s32 @!p1 $0xFFFFC000;
	s4 =	simm.s32 @!p1 $0x0;
	s5 =	sadd.s32 @!p1 $0x0, s5  }
0x63: {  	[tilespmem:s4], [sflag:$0x9] =	stream.linear.gather @!p1 [hbm4b:s5+s4], $0x200, $0x38;
	[tilespmem:$0x10800] =	vst v63  }
0x64: {  	_ =	swait.ge @!p1 [sflag:s6], $0x200  }
0x65: {  	[sflag:s6] =	ssyncset.done @!p1 $0x0  }
0x66: {  	s19 =	simm.s32 @!p1 $0x80;
	s5 =	simm.s32 @!p1 $0x800;
	[sflag:s6] =	ssyncadd.s32 @!p1 $0xFFFFFE00  }
0x67: {  	[tilespmem:s5], [sflag:$0x1] =	stream.indirect.gather @!p1 [hbm4b:s2+s19], $0x20, s4, s19, $0xb8;
	[tilespmem:$0x10800] =	vst v63  }
0x68: {  	s5 =	simm.s32 @!p1 $0x1800  }
0x69: {  	[tilespmem:s5], [sflag:$0x1] =	stream.indirect.gather @!p1 [hbm4b:s2+s19], $0x20, s19, s19, $0xb8;
	[tilespmem:$0x10800] =	vst v63  }
0x6a: {  	s9 =	simm.s32 @!p1 $0x2800;
	s5 =	simm.s32 @!p1 $0x100  }
0x6b: {  	[tilespmem:s9], [sflag:$0x1] =	stream.indirect.gather @!p1 [hbm4b:s2+s19], $0x20, s5, s19, $0xb8;
	[tilespmem:$0x10800] =	vst v63  }
0x6c: {  	s5 =	simm.s32 @!p1 $0x180;
	s9 =	simm.s32 @!p1 $0x3800  }
0x6d: {  	[tilespmem:s9], [sflag:$0x1] =	stream.indirect.gather @!p1 [hbm4b:s2+s19], $0x20, s5, s19, $0xb8;
	[tilespmem:$0x10800] =	vst v63  }
0x6e: {  	_ =	swait.ge [sflag:s14], $0x4000  }
0x6f: {  	[sflag:s14] =	ssyncset.done $0x0  }
0x70: {  	s5 =	simm.s32 @!p1 $0x6;
	s10 =	rddreg [dreg:$0x19];
	[sflag:s14] =	ssyncadd.s32 $0xFFFFC000  }
0x71: {  	[hbm4b:s10+s3] =	stream.linear.scatter [tilespmem:s29], [sflag:$0x7], $0x4000, $0x38;
	[tilespmem:$0x10800] =	vst v63  }
0x72: {  	_ =	swait.ge @!p1 [sflag:s5], $0x4000  }
0x73: {  	s16 =	simm.s32 @!p1 $0x380;
	s9 =	rddreg [dreg:$0x3];
	[sflag:s5] =	ssyncset.done @!p1 $0x0  }
0x74: {  	[sflag:s5] =	ssyncadd.s32 @!p1 $0xFFFFC000;
	s5 =	simm.s32 @!p1 $0x200;
	s9 =	sadd.s32 @!p1 $0x0, s9  }
0x75: {  	[tilespmem:s5], [sflag:$0x9] =	stream.linear.gather @!p1 [hbm4b:s9+s4], $0x200, $0x38;
	[tilespmem:$0x10800] =	vst v63  }
0x76: {  	s17 =	simm.s32 @!p1 $0x7800;
	s18 =	simm.s32 @!p1 $0x6800;
	_ =	swait.ge @!p1 [sflag:s6], $0x200  }
0x77: {  	s23 =	simm.s32 $0x100;
	s26 =	sadd.s32 $0x2000, s7;
	[sflag:s6] =	ssyncset.done @!p1 $0x0  }
0x78: {  	s24 =	sadd.s32 $0x2000, s10;
	s4 =	simm.s32 @!p1 $0x4800;
	[sflag:s6] =	ssyncadd.s32 @!p1 $0xFFFFFE00  }
0x79: {  	[tilespmem:s4], [sflag:$0x2] =	stream.indirect.gather @!p1 [hbm4b:s2+s19], $0x20, s5, s19, $0xb8;
	[tilespmem:$0x10800] =	vst v63  }
0x7a: {  	s9 =	rddreg [dreg:$0x18];
	s4 =	simm.s32 @!p1 $0x280;
	s5 =	simm.s32 @!p1 $0x5800  }
0x7b: {  	[tilespmem:s5], [sflag:$0x2] =	stream.indirect.gather @!p1 [hbm4b:s2+s19], $0x20, s4, s19, $0xb8;
	[tilespmem:$0x10800] =	vst v63  }
0x7c: {  	s6 =	sadd.s32 $0x2000, s9;
	s4 =	simm.s32 @!p1 $0x300;
	s5 =	sadd.s32 $0x2000, s8  }
.LBB2_2:
0x7d: {  	[tilespmem:s18], [sflag:$0x2] =	stream.indirect.gather @!p1 [hbm4b:s2+s19], $0x20, s4, s19, $0xb8;
	[tilespmem:$0x10800] =	vst v63  }
0x7e: {  	_ = 	snop  }
0x7f: {  	[tilespmem:s17], [sflag:$0x2] =	stream.indirect.gather @!p1 [hbm4b:s2+s19], $0x20, s16, s19, $0xb8;
	[tilespmem:$0x10800] =	vst v63  }
0x80: {  	_ =	swait.ge [sflag:s15], $0x4000  }
0x81: {  	p2 =	seq.s32 s23, $0x0;
	[sflag:s15] =	ssyncset.done $0x0  }
0x82: {  	s16 =	simm.s32 @!p2 $0x7;
	[sflag:s15] =	ssyncadd.s32 $0xFFFFC000  }
0x83: {  	[hbm4b:s9+s3] =	stream.linear.scatter [tilespmem:s1], [sflag:$0x8], $0x4000, $0x38;
	[tilespmem:$0x10800] =	vst v63  }
0x84: {  	_ =	swait.ge @!p2 [sflag:s16], $0x4000  }
0x85: {  	s4 =	smov.u32 s23;
	[sflag:s16] =	ssyncset.done @!p2 $0x0;
	s7 =	rddreg [dreg:$0x6]  }
0x86: {  	[sflag:s16] =	ssyncadd.s32 @!p2 $0xFFFFC000;
	s8 =	sadd.s32 s4, s7  }
0x87: {  	[tilespmem:s28], [sflag:$0x9] =	stream.linear.gather [hbm4b:s8+s3], $0x200, $0x38;
	[tilespmem:$0x10800] =	vst v63  }
0x88: {  	_ =	swait.ge [sflag:s11], $0x200  }
0x89: {  	s10 =	rddreg [dreg:$0x9]  }
0x8a: {  	[sflag:s11] =	ssyncset.done $0x0;
	s19 =	rddreg [dreg:$0x7]  }
0x8b: {  	s25 =	rddreg [dreg:$0x8];
	[sflag:s11] =	ssyncadd.s32 $0xFFFFFE00  }
0x8c: {  	[tilespmem:s29], [sflag:$0x3] =	stream.indirect.gather [hbm4b:s2+s12], $0x20, s28, s12, $0xb8;
	[tilespmem:$0x10800] =	vst v63  }
0x8d: {  	s7 =	rddreg [dreg:$0xa]  }
0x8e: {  	[tilespmem:s25], [sflag:$0x3] =	stream.indirect.gather [hbm4b:s2+s12], $0x20, s19, s12, $0xb8;
	[tilespmem:$0x10800] =	vst v63  }
0x8f: {  	s21 =	rddreg [dreg:$0xb]  }
0x90: {  	[tilespmem:s7], [sflag:$0x3] =	stream.indirect.gather [hbm4b:s2+s12], $0x20, s10, s12, $0xb8;
	[tilespmem:$0x10800] =	vst v63  }
0x91: {  	s8 =	rddreg [dreg:$0xc]  }
0x92: {  	[tilespmem:s8], [sflag:$0x3] =	stream.indirect.gather [hbm4b:s2+s12], $0x20, s21, s12, $0xb8;
	[tilespmem:$0x10800] =	vst v63  }
0x93: {  	_ =	swait.ge [sflag:s30], $0x4000  }
0x94: {  	[sflag:s30] =	ssyncset.done $0x0  }
0x95: {  	s16 =	simm.s32 @!p2 $0x8;
	[sflag:s30] =	ssyncadd.s32 $0xFFFFC000  }
0x96: {  	[hbm4b:s5+s3] =	stream.linear.scatter [tilespmem:s13], [sflag:$0x5], $0x4000, $0x38;
	[tilespmem:$0x10800] =	vst v63  }
0x97: {  	_ =	swait.ge @!p2 [sflag:s16], $0x4000  }
0x98: {  	[sflag:s16] =	ssyncset.done @!p2 $0x0;
	s10 =	rddreg [dreg:$0x5]  }
0x99: {  	[sflag:s16] =	ssyncadd.s32 @!p2 $0xFFFFC000;
	s18 =	sadd.s32 s4, s10  }
0x9a: {  	[tilespmem:s31], [sflag:$0x9] =	stream.linear.gather [hbm4b:s18+s3], $0x200, $0x38;
	[tilespmem:$0x10800] =	vst v63  }
0x9b: {  	_ =	swait.ge [sflag:s11], $0x200  }
0x9c: {  	s19 =	rddreg [dreg:$0xd]  }
0x9d: {  	[sflag:s11] =	ssyncset.done $0x0;
	s21 =	rddreg [dreg:$0xf]  }
0x9e: {  	s7 =	rddreg [dreg:$0xe];
	[sflag:s11] =	ssyncadd.s32 $0xFFFFFE00  }
0x9f: {  	[tilespmem:s1], [sflag:$0x4] =	stream.indirect.gather [hbm4b:s2+s12], $0x20, s31, s12, $0xb8;
	[tilespmem:$0x10800] =	vst v63  }
0xa0: {  	s8 =	rddreg [dreg:$0x10]  }
0xa1: {  	[tilespmem:s7], [sflag:$0x4] =	stream.indirect.gather [hbm4b:s2+s12], $0x20, s19, s12, $0xb8;
	[tilespmem:$0x10800] =	vst v63  }
0xa2: {  	s10 =	rddreg [dreg:$0x11]  }
0xa3: {  	[tilespmem:s8], [sflag:$0x4] =	stream.indirect.gather [hbm4b:s2+s12], $0x20, s21, s12, $0xb8;
	[tilespmem:$0x10800] =	vst v63  }
0xa4: {  	s25 =	rddreg [dreg:$0x12]  }
0xa5: {  	[tilespmem:s25], [sflag:$0x4] =	stream.indirect.gather [hbm4b:s2+s12], $0x20, s10, s12, $0xb8;
	[tilespmem:$0x10800] =	vst v63  }
0xa6: {  	_ =	swait.ge [sflag:s0], $0x4000  }
0xa7: {  	p1 =	seq.s32 s4, $0x3100;
	[sflag:s0] =	ssyncset.done $0x0  }
0xa8: {  	s18 =	simm.s32 @!p1 $0x5;
	[sflag:s0] =	ssyncadd.s32 $0xFFFFC000  }
0xa9: {  	[hbm4b:s26+s3] =	stream.linear.scatter [tilespmem:s20], [sflag:$0x6], $0x4000, $0x38;
	[tilespmem:$0x10800] =	vst v63  }
0xaa: {  	_ =	swait.ge @!p1 [sflag:s18], $0x4000  }
0xab: {  	s21 =	simm.s32 @!p1 $0x9;
	s19 =	rddreg [dreg:$0x4];
	[sflag:s18] =	ssyncset.done @!p1 $0x0  }
0xac: {  	[sflag:s18] =	ssyncadd.s32 @!p1 $0xFFFFC000;
	s18 =	simm.s32 @!p1 $0x0;
	s19 =	sadd.s32 @!p1 s4, s19  }
0xad: {  	[tilespmem:s18], [sflag:$0x9] =	stream.linear.gather @!p1 [hbm4b:s19+s18], $0x200, $0x38;
	[tilespmem:$0x10800] =	vst v63  }
0xae: {  	_ =	swait.ge @!p1 [sflag:s21], $0x200  }
0xaf: {  	[sflag:s21] =	ssyncset.done @!p1 $0x0  }
0xb0: {  	s7 =	simm.s32 @!p1 $0x800;
	s19 =	simm.s32 @!p1 $0x80;
	[sflag:s21] =	ssyncadd.s32 @!p1 $0xFFFFFE00  }
0xb1: {  	[tilespmem:s7], [sflag:$0x1] =	stream.indirect.gather @!p1 [hbm4b:s2+s19], $0x20, s18, s19, $0xb8;
	[tilespmem:$0x10800] =	vst v63  }
0xb2: {  	s8 =	simm.s32 @!p1 $0x1800  }
0xb3: {  	[tilespmem:s8], [sflag:$0x1] =	stream.indirect.gather @!p1 [hbm4b:s2+s19], $0x20, s19, s19, $0xb8;
	[tilespmem:$0x10800] =	vst v63  }
0xb4: {  	s25 =	simm.s32 @!p1 $0x2800;
	s7 =	simm.s32 @!p1 $0x100  }
0xb5: {  	[tilespmem:s25], [sflag:$0x1] =	stream.indirect.gather @!p1 [hbm4b:s2+s19], $0x20, s7, s19, $0xb8;
	[tilespmem:$0x10800] =	vst v63  }
0xb6: {  	s10 =	simm.s32 @!p1 $0x3800;
	s8 =	simm.s32 @!p1 $0x180  }
0xb7: {  	[tilespmem:s10], [sflag:$0x1] =	stream.indirect.gather @!p1 [hbm4b:s2+s19], $0x20, s8, s19, $0xb8;
	[tilespmem:$0x10800] =	vst v63  }
0xb8: {  	s23 =	sadd.s32 $0x100, s23;
	_ =	swait.ge [sflag:s14], $0x4000  }
0xb9: {  	p0 =	sne.s32 s23, $0x3200;
	[sflag:s14] =	ssyncset.done $0x0  }
0xba: {  	s17 =	simm.s32 @!p1 $0x7800;
	s7 =	simm.s32 @!p1 $0x6;
	[sflag:s14] =	ssyncadd.s32 $0xFFFFC000  }
0xbb: {  	[hbm4b:s24+s3] =	stream.linear.scatter [tilespmem:s29], [sflag:$0x7], $0x4000, $0x38;
	[tilespmem:$0x10800] =	vst v63  }
0xbc: {  	s9 =	smov.u32 s6;
	s6 =	sadd.s32 $0x2000, s6;
	_ =	swait.ge @!p1 [sflag:s7], $0x4000  }
0xbd: {  	s5 =	sadd.s32 $0x2000, s5;
	s8 =	rddreg [dreg:$0x3];
	[sflag:s7] =	ssyncset.done @!p1 $0x0  }
0xbe: {  	[sflag:s7] =	ssyncadd.s32 @!p1 $0xFFFFC000;
	s7 =	simm.s32 @!p1 $0x200;
	s4 =	sadd.s32 @!p1 s4, s8  }
0xbf: {  	[tilespmem:s7], [sflag:$0x9] =	stream.linear.gather @!p1 [hbm4b:s4+s18], $0x200, $0x38;
	[tilespmem:$0x10800] =	vst v63  }
0xc0: {  	s16 =	simm.s32 @!p1 $0x380;
	s26 =	sadd.s32 $0x2000, s26;
	_ =	swait.ge @!p1 [sflag:s21], $0x200  }
.Ltmp0:
0xc1: {  	s10 =	simm.s32 @!p1 $0x5800;
	[sflag:s21] =	ssyncset.done @!p1 $0x0;
	(pc) =	sbr.rel @p0 .LBB2_2-.Ltmp0, $4  }
0xc2: {  	s24 =	sadd.s32 $0x2000, s24;
	s4 =	simm.s32 @!p1 $0x4800;
	[sflag:s21] =	ssyncadd.s32 @!p1 $0xFFFFFE00  }
0xc3: {  	[tilespmem:s4], [sflag:$0x2] =	stream.indirect.gather @!p1 [hbm4b:s2+s19], $0x20, s7, s19, $0xb8;
	[tilespmem:$0x10800] =	vst v63  }
0xc4: {  	s8 =	simm.s32 @!p1 $0x280;
	s18 =	simm.s32 @!p1 $0x6800;
	s4 =	simm.s32 @!p1 $0x300  }
0xc5: {  	[tilespmem:s10], [sflag:$0x2] =	stream.indirect.gather @!p1 [hbm4b:s2+s19], $0x20, s8, s19, $0xb8;
	[tilespmem:$0x10800] =	vst v63  }
0xc6: {  	[tilespmem:s18], [sflag:$0x2] =	stream.indirect.gather @!p1 [hbm4b:s2+s19], $0x20, s4, s19, $0xb8;
	[tilespmem:$0x10800] =	vst v63  }
0xc7: {  	_ = 	snop  }
0xc8: {  	[tilespmem:s17], [sflag:$0x2] =	stream.indirect.gather @!p1 [hbm4b:s2+s19], $0x20, s16, s19, $0xb8;
	[tilespmem:$0x10800] =	vst v63  }
0xc9: {  	_ =	swait.ge [sflag:s15], $0x4000  }
0xca: {  	[sflag:s15] =	ssyncset.done $0x0  }
0xcb: {  	s23 =	simm.s32 $0x5;
	[sflag:s15] =	ssyncadd.s32 $0xFFFFC000  }
0xcc: {  	[hbm4b:s9+s3] =	stream.linear.scatter [tilespmem:s1], [sflag:$0x8], $0x4000, $0x38;
	[tilespmem:$0x10800] =	vst v63  }
0xcd: {  	_ =	swait.ge [sflag:s23], $0x4000  }
0xce: {  	[sflag:s23] =	ssyncset.done $0x0  }
0xcf: {  	s24 =	simm.s32 $0x6;
	[sflag:s23] =	ssyncadd.s32 $0xFFFFC000  }
0xd0: {  	_ =	swait.ge [sflag:s24], $0x4000  }
0xd1: {  	[sflag:s24] =	ssyncset.done $0x0  }
0xd2: {  	s25 =	simm.s32 $0x7;
	[sflag:s24] =	ssyncadd.s32 $0xFFFFC000  }
0xd3: {  	_ =	swait.ge [sflag:s25], $0x4000  }
0xd4: {  	[sflag:s25] =	ssyncset.done $0x0  }
0xd5: {  	s5 =	simm.s32 $0x8;
	[sflag:s25] =	ssyncadd.s32 $0xFFFFC000  }
0xd6: {  	_ =	swait.ge [sflag:s5], $0x4000  }
0xd7: {  	s22 =	sadd.s32 $0x1, s22;
	s26 =	rddreg [dreg:$0x15]  }
0xd8: {  	p0 =	sne.s32 s22, s26  }
.Ltmp1:
0xd9: {  	_ = 	snop;
	(pc) =	sbr.rel @p0 .LBB2_1-.Ltmp1, $3  }
0xda: {  	_ =	sdelay $0x1  }
0xdb: {  	[sflag:s5] =	ssyncset.done $0x0  }
0xdc: {  	[sflag:s5] =	ssyncadd.s32 $0xFFFFC000  }
0xdd: {  	_ =	sfence.sel $0x180000  }
0xde: {  	[bflag:$0x0] =	sbarrier.arrive $0xFFFF  }
0xdf: {  	_ =	strace $0x90000047  }
0xe0: {  	s0 =	stileid.u32;
	[bflag:$0x2] =	sbarrier.arrive $0xFFFF  }
0xe1: {  	p0 =	sne.s32 s0, $0x0;
	s0 =	rddreg [dreg:$0x2]  }
0xe2: {  	s0 =	sadd.s32 @!p0 $0x100000, s0  }
0xe3: {  	[sflag:s0] =	ssyncadd.tile.s32 @!p0 $0x1;
	_ =	shalt  }
.Lfunc_end2:
_tile_overlayer_lowered:
.L_overlay_start_2:
0xe4: {  	(tag) =	ssettag $0x2  }
0xe5: {  	s0 =	rddreg [dreg:$0x0];
	s2 =	stileid.u32  }
0xe6: {  	s1 =	rddreg [dreg:$0x1];
	p0 =	sne.s32 s2, $0x0  }
0xe7: {  	s3 =	rddreg [dreg:$0x2];
	[bflag:$0x3] =	sbarrier.arrive $0xFFFF;
	s2 =	simm.s32 @!p0 $0x1C09  }
0xe8: {  	[timem:s3], [sflag:s2] =	dma.local @!p0 [hbm:s0], s1  }
0xe9: {  	s0 =	simm.s32 @!p0 $0x9  }
0xea: {  	_ =	swait.ge @!p0 [sflag:s0], s1  }
0xeb: {  	s1 =	ssub.s32 @!p0 $0x0, s1;
	[sflag:s0] =	ssyncset.done @!p0 $0x0  }
0xec: {  	[sflag:s0] =	ssyncadd.s32 @!p0 s1  }
0xed: {  	[bflag:$0x3] =	sbarrier.arrive $0xFFFF  }
0xee: {  	_ =	shalt  }

</sc_bundles>
